<compile_context>
chip_gen: v7x
topology: tpu7x:2x2x1
jax: 0.10.2.dev20260603
libtpu: 0.0.44.dev20260713+nightly
codegen_flags: <defaults>
</compile_context>

<pallas_src>
import functools

import jax
import jax.numpy as jnp
from jax import lax
from jax.experimental import pallas as pl
from jax.experimental.pallas import tpu as pltpu
from jax.experimental.pallas import tpu_sc as plsc

_N = 10000
_E = 320000
_G = 256
_R = 16
_V = 33
_DO = 64
_SEG = _N * _R
_AB = _R * _G * _V
_CB = _G * _V
_EPT = _E // 32
_NPT = 313


def _loop16(n, body, unroll=8):
    def b(i, c):
        body(i)
        return c
    lax.fori_loop(0, n, b, 0, unroll=unroll)


def _sc_body(seg_h, ei_h, x_h, b_h, out_a, out_c,
             segb, sego, e_src, fones, fval, xtab, btab, nbuck, nval,
             sem_x, sem_b, sem_so, sem_sb, sem_sr,
             cnt_sh, a_sh, c_sh):
    cid = lax.axis_index("c")
    sid = lax.axis_index("s")
    wid = cid * 16 + sid
    iota = lax.iota(jnp.int32, 16)
    other = sid + 16 * (1 - cid)

    cp_x = pltpu.async_copy(x_h, xtab, sem_x)
    cp_b = pltpu.async_copy(b_h, btab, sem_b)
    cp_so = pltpu.async_copy(seg_h.at[pl.ds(other * _EPT, _EPT)], sego, sem_so)
    cp_sb = pltpu.async_copy(seg_h.at[pl.ds(wid * _EPT, _EPT)], segb, sem_sb)
    cp_sr = pltpu.async_copy(ei_h.at[pl.ds(wid * _EPT, _EPT)], e_src, sem_sr)

    def init_i(i):
        fones[pl.ds(i * 16, 16)] = jnp.full((16,), 1.0, jnp.float32)
        fval[pl.ds(i * 16, 16)] = jnp.zeros((16,), jnp.float32)
    _loop16(625, init_i)

    pltpu.sync_copy(fval.at[pl.ds(0, _SEG // 16)],
                    cnt_sh.at[pl.ds(sid * (_SEG // 16), _SEG // 16)])
    pltpu.sync_copy(fval.at[pl.ds(0, _AB // 16)],
                    a_sh.at[pl.ds(sid * (_AB // 16), _AB // 16)])
    pltpu.sync_copy(fval.at[pl.ds(0, _CB // 16)],
                    c_sh.at[pl.ds(sid * (_CB // 16), _CB // 16)])
    plsc.subcore_barrier()

    cp_so.wait()
    pltpu.sync_copy(fones, cnt_sh.at[sego], add=True)
    cp_sb.wait()
    pltpu.sync_copy(fones, cnt_sh.at[segb], add=True)
    cp_x.wait()
    cp_b.wait()

    nb = wid * _NPT
    lim = jnp.minimum(nb + _NPT, _N)

    def node_i(i):
        idx16 = nb + i * 16 + iota
        ok = idx16 < lim
        cidx = jnp.minimum(idx16, _N - 1)
        g16 = plsc.load_gather(btab, [cidx])
        v16 = plsc.load_gather(xtab, [cidx])
        nbuck[pl.ds(i * 16, 16)] = v16 * _G + g16
        nval[pl.ds(i * 16, 16)] = jnp.where(ok, 1.0, 0.0)
    _loop16(20, node_i, unroll=4)
    pltpu.sync_copy(nval, c_sh.at[nbuck], add=True)
    plsc.subcore_barrier()

    cp_sr.wait()
    pltpu.sync_copy(cnt_sh.at[segb], fval)

    def buck_i(i):
        sl = pl.ds(i * 16, 16)
        s16 = segb[sl]
        g16 = plsc.load_gather(btab, [s16 >> 4])
        v16 = plsc.load_gather(xtab, [e_src[sl]])
        segb[sl] = (s16 & 15) * _CB + v16 * _G + g16
        fval[sl] = 1.0 / fval[sl]
    _loop16(625, buck_i)
    pltpu.sync_copy(fval, a_sh.at[segb], add=True)
    plsc.subcore_barrier()

    pltpu.sync_copy(a_sh.at[pl.ds(sid * (_AB // 16), _AB // 16)],
                    fval.at[pl.ds(0, _AB // 16)])
    pltpu.sync_copy(fval.at[pl.ds(0, _AB // 16)],
                    out_a.at[pl.ds(cid * _AB + sid * (_AB // 16), _AB // 16)])
    pltpu.sync_copy(c_sh.at[pl.ds(sid * (_CB // 16), _CB // 16)],
                    fones.at[pl.ds(0, _CB // 16)])
    pltpu.sync_copy(fones.at[pl.ds(0, _CB // 16)],
                    out_c.at[pl.ds(cid * _CB + sid * (_CB // 16), _CB // 16)])


@functools.lru_cache(maxsize=1)
def _get_sc_call():
    return pl.kernel(
        _sc_body,
        out_type=(jax.ShapeDtypeStruct((2 * _AB,), jnp.float32),
                  jax.ShapeDtypeStruct((2 * _CB,), jnp.float32)),
        mesh=plsc.VectorSubcoreMesh(core_axis_name="c", subcore_axis_name="s"),
        compiler_params=pltpu.CompilerParams(needs_layout_passes=False),
        scratch_types=[
            pltpu.VMEM((10000,), jnp.int32),
            pltpu.VMEM((10000,), jnp.int32),
            pltpu.VMEM((10000,), jnp.int32),
            pltpu.VMEM((10000,), jnp.float32),
            pltpu.VMEM((10000,), jnp.float32),
            pltpu.VMEM((10000,), jnp.int32),
            pltpu.VMEM((10000,), jnp.int32),
            pltpu.VMEM((320,), jnp.int32),
            pltpu.VMEM((320,), jnp.float32),
            pltpu.SemaphoreType.DMA,
            pltpu.SemaphoreType.DMA,
            pltpu.SemaphoreType.DMA,
            pltpu.SemaphoreType.DMA,
            pltpu.SemaphoreType.DMA,
            pltpu.VMEM_SHARED((_SEG,), jnp.float32),
            pltpu.VMEM_SHARED((_AB,), jnp.float32),
            pltpu.VMEM_SHARED((_CB,), jnp.float32),
        ],
    )


def _tc_body(a_ref, c_ref, emb_ref, wrel_ref, wroot_ref, bias_ref, out_ref):
    hi = jax.lax.Precision.HIGHEST
    dn = (((0,), (1,)), ((), ()))
    emb = emb_ref[...]
    c2 = (c_ref[pl.ds(0, _CB)] + c_ref[pl.ds(_CB, _CB)]).reshape(_V, _G)
    acc = jnp.zeros((_DO, _G), jnp.float32)
    for r in range(_R):
        t_r = jax.lax.dot_general(wrel_ref[r], emb, dn, precision=hi)
        a2 = (a_ref[pl.ds(r * _CB, _CB)]
              + a_ref[pl.ds(_AB + r * _CB, _CB)]).reshape(_V, _G)
        acc = acc + jax.lax.dot(t_r, a2, precision=hi)
    t_root = jax.lax.dot_general(wroot_ref[...], emb, dn, precision=hi)
    acc = acc + jax.lax.dot(t_root, c2, precision=hi)
    cg = jnp.sum(c2, axis=0, keepdims=True)
    acc = acc + bias_ref[...] * cg
    out_ref[...] = (acc / jnp.maximum(cg, 1.0)).T


_tc_call = pl.pallas_call(
    _tc_body,
    out_shape=jax.ShapeDtypeStruct((_G, _DO), jnp.float32),
)


@jax.jit
def kernel(x, edge_index, edge_attr, batch, emb_table, W_rel, W_root, bias):
    ei = edge_index.reshape(-1)
    seg = ei[_E:] * 16 + edge_attr.reshape(-1)
    xf = x.reshape(-1)
    out_a, out_c = _get_sc_call()(seg, ei, xf, batch)
    return _tc_call(out_a, out_c, emb_table, W_rel, W_root, bias.reshape(_DO, 1))

# --- scband reference (transcript-rebuilt; emitter-appended) ---
"""Pipeline reference for scband-graph-encoder-23759759081888 (READ-ONLY COPY).

The authoritative reference and input builder live on the scoring server;
editing this copy changes nothing except your own understanding.
"""

import jax, jax.numpy as jnp
import numpy as np

N = 10000
E = 320000
D_IN = 128
D_OUT = 64
R = 16
VOCAB = 33  # num_objs + 1
G = 256     # number of graphs in the batch


def setup_inputs(seed: int = 0) -> dict:
    key = jax.random.key(seed)
    ks = jax.random.split(key, 8)
    x = jax.random.randint(ks[0], (N, 1), 0, VOCAB)
    edge_index = jax.random.randint(ks[1], (2, E), 0, N)
    edge_attr = jax.random.randint(ks[2], (E, 1), 0, R)
    batch = jnp.sort(jax.random.randint(ks[3], (N,), 0, G))
    emb_table = jax.random.normal(ks[4], (VOCAB, D_IN), dtype=jnp.float32)
    W_rel = jax.random.normal(ks[5], (R, D_IN, D_OUT), dtype=jnp.float32) / np.sqrt(D_IN)
    W_root = jax.random.normal(ks[6], (D_IN, D_OUT), dtype=jnp.float32) / np.sqrt(D_IN)
    bias = jnp.zeros((D_OUT,), dtype=jnp.float32)
    return {"x": x, "edge_index": edge_index, "edge_attr": edge_attr, "batch": batch,
            "emb_table": emb_table, "W_rel": W_rel, "W_root": W_root, "bias": bias}


def reference(x, edge_index, edge_attr, batch, emb_table, W_rel, W_root, bias):
    # obj_embeddings lookup: [N,1] -> [N,1,D_IN] -> squeeze(1) -> [N,D_IN]
    h = jnp.squeeze(jnp.take(emb_table, x, axis=0), axis=1)
    src = edge_index[0]
    dst = edge_index[1]
    rel = edge_attr.reshape(-1).astype(jnp.int32)
    # RGCNConv (mean aggregation per relation):
    # x_i' = W_root x_i + bias + sum_r sum_{j in N_r(i)} (1/|N_r(i)|) W_r x_j
    hW = jnp.einsum('nd,rdo->rno', h, W_rel)           # [R, N, D_OUT]
    msgs = hW.reshape(R * N, D_OUT)[rel * N + src]      # [E, D_OUT] gather per edge
    seg = dst * R + rel                                 # per (dst, relation) segment
    cnt = jax.ops.segment_sum(jnp.ones((E,), jnp.float32), seg, num_segments=N * R)
    norm = 1.0 / jnp.maximum(cnt, 1.0)
    msgs = msgs * norm[seg][:, None]
    agg = jax.ops.segment_sum(msgs, dst, num_segments=N)
    node_out = agg + h @ W_root + bias                  # [N, D_OUT]
    # scatter_mean over graph assignment vector
    sums = jax.ops.segment_sum(node_out, batch, num_segments=G)
    counts = jax.ops.segment_sum(jnp.ones((N,), jnp.float32), batch, num_segments=G)
    pool_out = sums / jnp.maximum(counts, 1.0)[:, None]  # [G, D_OUT]
    return pool_out

if __name__ == "__main__":
    import jax
    _d = setup_inputs()
    print(jax.jit(kernel)(*tuple(_d.values())))

</pallas_src>

<mosaic_0001>
#map = affine_map<(d0, d1) -> (0)>
module attributes {stable_mosaic.version = 14 : i64} {
  func.func @_sc_body(%arg0: i32, %arg1: i32, %arg2: memref<320000xi32, #tpu.memory_space<hbm>>, %arg3: memref<640000xi32, #tpu.memory_space<hbm>>, %arg4: memref<10000xi32, #tpu.memory_space<hbm>>, %arg5: memref<10000xi32, #tpu.memory_space<hbm>>, %arg6: memref<270336xf32, #tpu.memory_space<hbm>>, %arg7: memref<16896xf32, #tpu.memory_space<hbm>>, %arg8: memref<10000xi32, #tpu.memory_space<vmem>>, %arg9: memref<10000xi32, #tpu.memory_space<vmem>>, %arg10: memref<10000xi32, #tpu.memory_space<vmem>>, %arg11: memref<10000xf32, #tpu.memory_space<vmem>>, %arg12: memref<10000xf32, #tpu.memory_space<vmem>>, %arg13: memref<10000xi32, #tpu.memory_space<vmem>>, %arg14: memref<10000xi32, #tpu.memory_space<vmem>>, %arg15: memref<320xi32, #tpu.memory_space<vmem>>, %arg16: memref<320xf32, #tpu.memory_space<vmem>>, %arg17: memref<!tpu.dma_semaphore, #tpu.memory_space<semaphore_mem>>, %arg18: memref<!tpu.dma_semaphore, #tpu.memory_space<semaphore_mem>>, %arg19: memref<!tpu.dma_semaphore, #tpu.memory_space<semaphore_mem>>, %arg20: memref<!tpu.dma_semaphore, #tpu.memory_space<semaphore_mem>>, %arg21: memref<!tpu.dma_semaphore, #tpu.memory_space<semaphore_mem>>, %arg22: memref<160000xf32, #tpu.memory_space<vmem_shared>>, %arg23: memref<135168xf32, #tpu.memory_space<vmem_shared>>, %arg24: memref<8448xf32, #tpu.memory_space<vmem_shared>>) attributes {dimension_semantics = [#tpu.dimension_semantics<core_parallel>, #tpu.dimension_semantics<subcore_parallel>], iteration_bounds = array<i64: 2, 16>, scalar_prefetch = 0 : i64, scratch_operands = 17 : i64, tpu.core_type = #tpu.core_type<sc_vector_subcore>, window_params = [{transform_indices = #map}, {transform_indices = #map}, {transform_indices = #map}, {transform_indices = #map}, {transform_indices = #map}, {transform_indices = #map}]} {
    %mul3A = arith.constant 16 : i32
    %mul3A_0 = arith.muli %arg0, %mul3A : i32
    %add3A = arith.addi %mul3A_0, %arg1 : i32
    %iota3A = tpu.iota {dimensions = array<i32: 0>} : vector<16xi32>
    %sub3A = arith.constant 1 : i32
    %sub3A_1 = arith.subi %sub3A, %arg0 : i32
    %mul3A_2 = arith.constant 16 : i32
    %mul3A_3 = arith.muli %mul3A_2, %sub3A_1 : i32
    %add3A_4 = arith.addi %arg1, %mul3A_3 : i32
    tpu.enqueue_dma source(%arg4 : memref<10000xi32, #tpu.memory_space<hbm>>) target(%arg13 : memref<10000xi32, #tpu.memory_space<vmem>>) target_semaphore(%arg17 : memref<!tpu.dma_semaphore, #tpu.memory_space<semaphore_mem>>)
    tpu.enqueue_dma source(%arg5 : memref<10000xi32, #tpu.memory_space<hbm>>) target(%arg14 : memref<10000xi32, #tpu.memory_space<vmem>>) target_semaphore(%arg18 : memref<!tpu.dma_semaphore, #tpu.memory_space<semaphore_mem>>)
    %mul3A_5 = arith.constant 10000 : i32
    %mul3A_6 = arith.muli %add3A_4, %mul3A_5 : i32
    %dma_start3A = tpu.memref_slice %arg2[%mul3A_6] : memref<320000xi32, #tpu.memory_space<hbm>> -> memref<10000xi32, #tpu.memory_space<hbm>>
    %dma_start3A_7 = tpu.memref_slice %arg2[%mul3A_6] : memref<320000xi32, #tpu.memory_space<hbm>> -> memref<10000xi32, #tpu.memory_space<hbm>>
    tpu.enqueue_dma source(%dma_start3A_7 : memref<10000xi32, #tpu.memory_space<hbm>>) target(%arg9 : memref<10000xi32, #tpu.memory_space<vmem>>) target_semaphore(%arg19 : memref<!tpu.dma_semaphore, #tpu.memory_space<semaphore_mem>>)
    %mul3A_8 = arith.constant 10000 : i32
    %mul3A_9 = arith.muli %add3A, %mul3A_8 : i32
    %dma_start3A_10 = tpu.memref_slice %arg2[%mul3A_9] : memref<320000xi32, #tpu.memory_space<hbm>> -> memref<10000xi32, #tpu.memory_space<hbm>>
    %dma_start3A_11 = tpu.memref_slice %arg2[%mul3A_9] : memref<320000xi32, #tpu.memory_space<hbm>> -> memref<10000xi32, #tpu.memory_space<hbm>>
    tpu.enqueue_dma source(%dma_start3A_11 : memref<10000xi32, #tpu.memory_space<hbm>>) target(%arg8 : memref<10000xi32, #tpu.memory_space<vmem>>) target_semaphore(%arg20 : memref<!tpu.dma_semaphore, #tpu.memory_space<semaphore_mem>>)
    %mul3A_12 = arith.constant 10000 : i32
    %mul3A_13 = arith.muli %add3A, %mul3A_12 : i32
    %dma_start3A_14 = tpu.memref_slice %arg3[%mul3A_13] : memref<640000xi32, #tpu.memory_space<hbm>> -> memref<10000xi32, #tpu.memory_space<hbm>>
    %dma_start3A_15 = tpu.memref_slice %arg3[%mul3A_13] : memref<640000xi32, #tpu.memory_space<hbm>> -> memref<10000xi32, #tpu.memory_space<hbm>>
    tpu.enqueue_dma source(%dma_start3A_15 : memref<10000xi32, #tpu.memory_space<hbm>>) target(%arg10 : memref<10000xi32, #tpu.memory_space<vmem>>) target_semaphore(%arg21 : memref<!tpu.dma_semaphore, #tpu.memory_space<semaphore_mem>>)
    %scan3A = arith.constant 0 : i32
    %scan3A_16 = arith.constant 0 : i32
    %scan3A_17 = arith.constant 624 : i32
    %scan3A_18 = arith.addi %scan3A_16, %scan3A_17 : i32
    %scan3A_19 = arith.constant 8 : i32
    scf.for %scan3A_105 = %scan3A_16 to %scan3A_18 step %scan3A_19  : i32 {
      %broadcast_in_dim3A_106 = arith.constant 1.000000e+00 : f32
      %broadcast_in_dim3A_107 = vector.broadcast %broadcast_in_dim3A_106 : f32 to vector<16xf32>
      %mul3A_108 = arith.constant 16 : i32
      %mul3A_109 = arith.muli %scan3A_105, %mul3A_108 : i32
      %swap3A_110 = arith.index_cast %mul3A_109 : i32 to index
      %swap3A_111 = tpu.vector_load %arg11[%swap3A_110] {strides = array<i32>} : memref<10000xf32, #tpu.memory_space<vmem>>, vector<16xf32>,
      tpu.vector_store %arg11[%swap3A_110], %broadcast_in_dim3A_107 {strides = array<i32>} : memref<10000xf32, #tpu.memory_space<vmem>>, vector<16xf32>,
      %broadcast_in_dim3A_112 = arith.constant 0.000000e+00 : f32
      %broadcast_in_dim3A_113 = vector.broadcast %broadcast_in_dim3A_112 : f32 to vector<16xf32>
      %mul3A_114 = arith.constant 16 : i32
      %mul3A_115 = arith.muli %scan3A_105, %mul3A_114 : i32
      %swap3A_116 = arith.index_cast %mul3A_115 : i32 to index
      %swap3A_117 = tpu.vector_load %arg12[%swap3A_116] {strides = array<i32>} : memref<10000xf32, #tpu.memory_space<vmem>>, vector<16xf32>,
      tpu.vector_store %arg12[%swap3A_116], %broadcast_in_dim3A_113 {strides = array<i32>} : memref<10000xf32, #tpu.memory_space<vmem>>, vector<16xf32>,
      %scan3A_118 = arith.constant 1 : i32
      %scan3A_119 = arith.addi %scan3A_105, %scan3A_118 : i32
      %broadcast_in_dim3A_120 = arith.constant 1.000000e+00 : f32
      %broadcast_in_dim3A_121 = vector.broadcast %broadcast_in_dim3A_120 : f32 to vector<16xf32>
      %mul3A_122 = arith.constant 16 : i32
      %mul3A_123 = arith.muli %scan3A_119, %mul3A_122 : i32
      %swap3A_124 = arith.index_cast %mul3A_123 : i32 to index
      %swap3A_125 = tpu.vector_load %arg11[%swap3A_124] {strides = array<i32>} : memref<10000xf32, #tpu.memory_space<vmem>>, vector<16xf32>,
      tpu.vector_store %arg11[%swap3A_124], %broadcast_in_dim3A_121 {strides = array<i32>} : memref<10000xf32, #tpu.memory_space<vmem>>, vector<16xf32>,
      %broadcast_in_dim3A_126 = arith.constant 0.000000e+00 : f32
      %broadcast_in_dim3A_127 = vector.broadcast %broadcast_in_dim3A_126 : f32 to vector<16xf32>
      %mul3A_128 = arith.constant 16 : i32
      %mul3A_129 = arith.muli %scan3A_119, %mul3A_128 : i32
      %swap3A_130 = arith.index_cast %mul3A_129 : i32 to index
      %swap3A_131 = tpu.vector_load %arg12[%swap3A_130] {strides = array<i32>} : memref<10000xf32, #tpu.memory_space<vmem>>, vector<16xf32>,
      tpu.vector_store %arg12[%swap3A_130], %broadcast_in_dim3A_127 {strides = array<i32>} : memref<10000xf32, #tpu.memory_space<vmem>>, vector<16xf32>,
      %scan3A_132 = arith.constant 2 : i32
      %scan3A_133 = arith.addi %scan3A_105, %scan3A_132 : i32
      %broadcast_in_dim3A_134 = arith.constant 1.000000e+00 : f32
      %broadcast_in_dim3A_135 = vector.broadcast %broadcast_in_dim3A_134 : f32 to vector<16xf32>
      %mul3A_136 = arith.constant 16 : i32
      %mul3A_137 = arith.muli %scan3A_133, %mul3A_136 : i32
      %swap3A_138 = arith.index_cast %mul3A_137 : i32 to index
      %swap3A_139 = tpu.vector_load %arg11[%swap3A_138] {strides = array<i32>} : memref<10000xf32, #tpu.memory_space<vmem>>, vector<16xf32>,
      tpu.vector_store %arg11[%swap3A_138], %broadcast_in_dim3A_135 {strides = array<i32>} : memref<10000xf32, #tpu.memory_space<vmem>>, vector<16xf32>,
      %broadcast_in_dim3A_140 = arith.constant 0.000000e+00 : f32
      %broadcast_in_dim3A_141 = vector.broadcast %broadcast_in_dim3A_140 : f32 to vector<16xf32>
      %mul3A_142 = arith.constant 16 : i32
      %mul3A_143 = arith.muli %scan3A_133, %mul3A_142 : i32
      %swap3A_144 = arith.index_cast %mul3A_143 : i32 to index
      %swap3A_145 = tpu.vector_load %arg12[%swap3A_144] {strides = array<i32>} : memref<10000xf32, #tpu.memory_space<vmem>>, vector<16xf32>,
      tpu.vector_store %arg12[%swap3A_144], %broadcast_in_dim3A_141 {strides = array<i32>} : memref<10000xf32, #tpu.memory_space<vmem>>, vector<16xf32>,
      %scan3A_146 = arith.constant 3 : i32
      %scan3A_147 = arith.addi %scan3A_105, %scan3A_146 : i32
      %broadcast_in_dim3A_148 = arith.constant 1.000000e+00 : f32
      %broadcast_in_dim3A_149 = vector.broadcast %broadcast_in_dim3A_148 : f32 to vector<16xf32>
      %mul3A_150 = arith.constant 16 : i32
      %mul3A_151 = arith.muli %scan3A_147, %mul3A_150 : i32
      %swap3A_152 = arith.index_cast %mul3A_151 : i32 to index
      %swap3A_153 = tpu.vector_load %arg11[%swap3A_152] {strides = array<i32>} : memref<10000xf32, #tpu.memory_space<vmem>>, vector<16xf32>,
      tpu.vector_store %arg11[%swap3A_152], %broadcast_in_dim3A_149 {strides = array<i32>} : memref<10000xf32, #tpu.memory_space<vmem>>, vector<16xf32>,
      %broadcast_in_dim3A_154 = arith.constant 0.000000e+00 : f32
      %broadcast_in_dim3A_155 = vector.broadcast %broadcast_in_dim3A_154 : f32 to vector<16xf32>
      %mul3A_156 = arith.constant 16 : i32
      %mul3A_157 = arith.muli %scan3A_147, %mul3A_156 : i32
      %swap3A_158 = arith.index_cast %mul3A_157 : i32 to index
      %swap3A_159 = tpu.vector_load %arg12[%swap3A_158] {strides = array<i32>} : memref<10000xf32, #tpu.memory_space<vmem>>, vector<16xf32>,
      tpu.vector_store %arg12[%swap3A_158], %broadcast_in_dim3A_155 {strides = array<i32>} : memref<10000xf32, #tpu.memory_space<vmem>>, vector<16xf32>,
      %scan3A_160 = arith.constant 4 : i32
      %scan3A_161 = arith.addi %scan3A_105, %scan3A_160 : i32
      %broadcast_in_dim3A_162 = arith.constant 1.000000e+00 : f32
      %broadcast_in_dim3A_163 = vector.broadcast %broadcast_in_dim3A_162 : f32 to vector<16xf32>
      %mul3A_164 = arith.constant 16 : i32
      %mul3A_165 = arith.muli %scan3A_161, %mul3A_164 : i32
      %swap3A_166 = arith.index_cast %mul3A_165 : i32 to index
      %swap3A_167 = tpu.vector_load %arg11[%swap3A_166] {strides = array<i32>} : memref<10000xf32, #tpu.memory_space<vmem>>, vector<16xf32>,
      tpu.vector_store %arg11[%swap3A_166], %broadcast_in_dim3A_163 {strides = array<i32>} : memref<10000xf32, #tpu.memory_space<vmem>>, vector<16xf32>,
      %broadcast_in_dim3A_168 = arith.constant 0.000000e+00 : f32
      %broadcast_in_dim3A_169 = vector.broadcast %broadcast_in_dim3A_168 : f32 to vector<16xf32>
      %mul3A_170 = arith.constant 16 : i32
      %mul3A_171 = arith.muli %scan3A_161, %mul3A_170 : i32
      %swap3A_172 = arith.index_cast %mul3A_171 : i32 to index
      %swap3A_173 = tpu.vector_load %arg12[%swap3A_172] {strides = array<i32>} : memref<10000xf32, #tpu.memory_space<vmem>>, vector<16xf32>,
      tpu.vector_store %arg12[%swap3A_172], %broadcast_in_dim3A_169 {strides = array<i32>} : memref<10000xf32, #tpu.memory_space<vmem>>, vector<16xf32>,
      %scan3A_174 = arith.constant 5 : i32
      %scan3A_175 = arith.addi %scan3A_105, %scan3A_174 : i32
      %broadcast_in_dim3A_176 = arith.constant 1.000000e+00 : f32
      %broadcast_in_dim3A_177 = vector.broadcast %broadcast_in_dim3A_176 : f32 to vector<16xf32>
      %mul3A_178 = arith.constant 16 : i32
      %mul3A_179 = arith.muli %scan3A_175, %mul3A_178 : i32
      %swap3A_180 = arith.index_cast %mul3A_179 : i32 to index
      %swap3A_181 = tpu.vector_load %arg11[%swap3A_180] {strides = array<i32>} : memref<10000xf32, #tpu.memory_space<vmem>>, vector<16xf32>,
      tpu.vector_store %arg11[%swap3A_180], %broadcast_in_dim3A_177 {strides = array<i32>} : memref<10000xf32, #tpu.memory_space<vmem>>, vector<16xf32>,
      %broadcast_in_dim3A_182 = arith.constant 0.000000e+00 : f32
      %broadcast_in_dim3A_183 = vector.broadcast %broadcast_in_dim3A_182 : f32 to vector<16xf32>
      %mul3A_184 = arith.constant 16 : i32
      %mul3A_185 = arith.muli %scan3A_175, %mul3A_184 : i32
      %swap3A_186 = arith.index_cast %mul3A_185 : i32 to index
      %swap3A_187 = tpu.vector_load %arg12[%swap3A_186] {strides = array<i32>} : memref<10000xf32, #tpu.memory_space<vmem>>, vector<16xf32>,
      tpu.vector_store %arg12[%swap3A_186], %broadcast_in_dim3A_183 {strides = array<i32>} : memref<10000xf32, #tpu.memory_space<vmem>>, vector<16xf32>,
      %scan3A_188 = arith.constant 6 : i32
      %scan3A_189 = arith.addi %scan3A_105, %scan3A_188 : i32
      %broadcast_in_dim3A_190 = arith.constant 1.000000e+00 : f32
      %broadcast_in_dim3A_191 = vector.broadcast %broadcast_in_dim3A_190 : f32 to vector<16xf32>
      %mul3A_192 = arith.constant 16 : i32
      %mul3A_193 = arith.muli %scan3A_189, %mul3A_192 : i32
      %swap3A_194 = arith.index_cast %mul3A_193 : i32 to index
      %swap3A_195 = tpu.vector_load %arg11[%swap3A_194] {strides = array<i32>} : memref<10000xf32, #tpu.memory_space<vmem>>, vector<16xf32>,
      tpu.vector_store %arg11[%swap3A_194], %broadcast_in_dim3A_191 {strides = array<i32>} : memref<10000xf32, #tpu.memory_space<vmem>>, vector<16xf32>,
      %broadcast_in_dim3A_196 = arith.constant 0.000000e+00 : f32
      %broadcast_in_dim3A_197 = vector.broadcast %broadcast_in_dim3A_196 : f32 to vector<16xf32>
      %mul3A_198 = arith.constant 16 : i32
      %mul3A_199 = arith.muli %scan3A_189, %mul3A_198 : i32
      %swap3A_200 = arith.index_cast %mul3A_199 : i32 to index
      %swap3A_201 = tpu.vector_load %arg12[%swap3A_200] {strides = array<i32>} : memref<10000xf32, #tpu.memory_space<vmem>>, vector<16xf32>,
      tpu.vector_store %arg12[%swap3A_200], %broadcast_in_dim3A_197 {strides = array<i32>} : memref<10000xf32, #tpu.memory_space<vmem>>, vector<16xf32>,
      %scan3A_202 = arith.constant 7 : i32
      %scan3A_203 = arith.addi %scan3A_105, %scan3A_202 : i32
      %broadcast_in_dim3A_204 = arith.constant 1.000000e+00 : f32
      %broadcast_in_dim3A_205 = vector.broadcast %broadcast_in_dim3A_204 : f32 to vector<16xf32>
      %mul3A_206 = arith.constant 16 : i32
      %mul3A_207 = arith.muli %scan3A_203, %mul3A_206 : i32
      %swap3A_208 = arith.index_cast %mul3A_207 : i32 to index
      %swap3A_209 = tpu.vector_load %arg11[%swap3A_208] {strides = array<i32>} : memref<10000xf32, #tpu.memory_space<vmem>>, vector<16xf32>,
      tpu.vector_store %arg11[%swap3A_208], %broadcast_in_dim3A_205 {strides = array<i32>} : memref<10000xf32, #tpu.memory_space<vmem>>, vector<16xf32>,
      %broadcast_in_dim3A_210 = arith.constant 0.000000e+00 : f32
      %broadcast_in_dim3A_211 = vector.broadcast %broadcast_in_dim3A_210 : f32 to vector<16xf32>
      %mul3A_212 = arith.constant 16 : i32
      %mul3A_213 = arith.muli %scan3A_203, %mul3A_212 : i32
      %swap3A_214 = arith.index_cast %mul3A_213 : i32 to index
      %swap3A_215 = tpu.vector_load %arg12[%swap3A_214] {strides = array<i32>} : memref<10000xf32, #tpu.memory_space<vmem>>, vector<16xf32>,
      tpu.vector_store %arg12[%swap3A_214], %broadcast_in_dim3A_211 {strides = array<i32>} : memref<10000xf32, #tpu.memory_space<vmem>>, vector<16xf32>,
    }
    %scan3A_20 = arith.constant 624 : i32
    %scan3A_21 = arith.addi %scan3A_16, %scan3A_20 : i32
    %broadcast_in_dim3A = arith.constant 1.000000e+00 : f32
    %broadcast_in_dim3A_22 = vector.broadcast %broadcast_in_dim3A : f32 to vector<16xf32>
    %mul3A_23 = arith.constant 16 : i32
    %mul3A_24 = arith.muli %scan3A_21, %mul3A_23 : i32
    %swap3A = arith.index_cast %mul3A_24 : i32 to index
    %swap3A_25 = tpu.vector_load %arg11[%swap3A] {strides = array<i32>} : memref<10000xf32, #tpu.memory_space<vmem>>, vector<16xf32>,
    tpu.vector_store %arg11[%swap3A], %broadcast_in_dim3A_22 {strides = array<i32>} : memref<10000xf32, #tpu.memory_space<vmem>>, vector<16xf32>,
    %broadcast_in_dim3A_26 = arith.constant 0.000000e+00 : f32
    %broadcast_in_dim3A_27 = vector.broadcast %broadcast_in_dim3A_26 : f32 to vector<16xf32>
    %mul3A_28 = arith.constant 16 : i32
    %mul3A_29 = arith.muli %scan3A_21, %mul3A_28 : i32
    %swap3A_30 = arith.index_cast %mul3A_29 : i32 to index
    %swap3A_31 = tpu.vector_load %arg12[%swap3A_30] {strides = array<i32>} : memref<10000xf32, #tpu.memory_space<vmem>>, vector<16xf32>,
    tpu.vector_store %arg12[%swap3A_30], %broadcast_in_dim3A_27 {strides = array<i32>} : memref<10000xf32, #tpu.memory_space<vmem>>, vector<16xf32>,
    %scan3A_32 = arith.constant 625 : i32
    %mul3A_33 = arith.constant 10000 : i32
    %mul3A_34 = arith.muli %arg1, %mul3A_33 : i32
    "tpu.region"() ({
      %run_scoped3A = tpu.sem_alloc : memref<!tpu.dma_semaphore, #tpu.memory_space<semaphore_mem>>
      %dma_start3A_105 = arith.constant 0 : i32
      %dma_start3A_106 = tpu.memref_slice %arg12[%dma_start3A_105] : memref<10000xf32, #tpu.memory_space<vmem>> -> memref<10000xf32, #tpu.memory_space<vmem>>
      %dma_start3A_107 = tpu.memref_slice %arg22[%mul3A_34] : memref<160000xf32, #tpu.memory_space<vmem_shared>> -> memref<10000xf32, #tpu.memory_space<vmem_shared>>
      %dma_start3A_108 = tpu.memref_slice %arg22[%mul3A_34] : memref<160000xf32, #tpu.memory_space<vmem_shared>> -> memref<10000xf32, #tpu.memory_space<vmem_shared>>
      %dma_start3A_109 = arith.constant 0 : i32
      %dma_start3A_110 = tpu.memref_slice %arg12[%dma_start3A_109] : memref<10000xf32, #tpu.memory_space<vmem>> -> memref<10000xf32, #tpu.memory_space<vmem>>
      tpu.enqueue_dma source(%dma_start3A_110 : memref<10000xf32, #tpu.memory_space<vmem>>) target(%dma_start3A_108 : memref<10000xf32, #tpu.memory_space<vmem_shared>>) target_semaphore(%run_scoped3A : memref<!tpu.dma_semaphore, #tpu.memory_space<semaphore_mem>>)
      %dma_wait3A_111 = arith.constant 0 : i32
      %dma_wait3A_112 = tpu.memref_slice %arg12[%dma_wait3A_111] : memref<10000xf32, #tpu.memory_space<vmem>> -> memref<10000xf32, #tpu.memory_space<vmem>>
      %dma_wait3A_113 = tpu.memref_slice %arg22[%mul3A_34] : memref<160000xf32, #tpu.memory_space<vmem_shared>> -> memref<10000xf32, #tpu.memory_space<vmem_shared>>
      %dma_wait3A_114 = tpu.memref_slice %arg22[%mul3A_34] : memref<160000xf32, #tpu.memory_space<vmem_shared>> -> memref<10000xf32, #tpu.memory_space<vmem_shared>>
      %dma_wait3A_115 = arith.constant 0 : i32
      %dma_wait3A_116 = tpu.memref_slice %arg12[%dma_wait3A_115] : memref<10000xf32, #tpu.memory_space<vmem>> -> memref<10000xf32, #tpu.memory_space<vmem>>
      tpu.wait_dma2 semaphore(%run_scoped3A : memref<!tpu.dma_semaphore, #tpu.memory_space<semaphore_mem>>) src(%dma_wait3A_116 : memref<10000xf32, #tpu.memory_space<vmem>>) dst(%dma_wait3A_114 : memref<10000xf32, #tpu.memory_space<vmem_shared>>)
      tpu.yield
    }) : () -> ()
    %mul3A_35 = arith.constant 8448 : i32
    %mul3A_36 = arith.muli %arg1, %mul3A_35 : i32
    "tpu.region"() ({
      %run_scoped3A = tpu.sem_alloc : memref<!tpu.dma_semaphore, #tpu.memory_space<semaphore_mem>>
      %dma_start3A_105 = arith.constant 0 : i32
      %dma_start3A_106 = tpu.memref_slice %arg12[%dma_start3A_105] : memref<10000xf32, #tpu.memory_space<vmem>> -> memref<8448xf32, #tpu.memory_space<vmem>>
      %dma_start3A_107 = tpu.memref_slice %arg23[%mul3A_36] : memref<135168xf32, #tpu.memory_space<vmem_shared>> -> memref<8448xf32, #tpu.memory_space<vmem_shared>>
      %dma_start3A_108 = tpu.memref_slice %arg23[%mul3A_36] : memref<135168xf32, #tpu.memory_space<vmem_shared>> -> memref<8448xf32, #tpu.memory_space<vmem_shared>>
      %dma_start3A_109 = arith.constant 0 : i32
      %dma_start3A_110 = tpu.memref_slice %arg12[%dma_start3A_109] : memref<10000xf32, #tpu.memory_space<vmem>> -> memref<8448xf32, #tpu.memory_space<vmem>>
      tpu.enqueue_dma source(%dma_start3A_110 : memref<8448xf32, #tpu.memory_space<vmem>>) target(%dma_start3A_108 : memref<8448xf32, #tpu.memory_space<vmem_shared>>) target_semaphore(%run_scoped3A : memref<!tpu.dma_semaphore, #tpu.memory_space<semaphore_mem>>)
      %dma_wait3A_111 = arith.constant 0 : i32
      %dma_wait3A_112 = tpu.memref_slice %arg12[%dma_wait3A_111] : memref<10000xf32, #tpu.memory_space<vmem>> -> memref<8448xf32, #tpu.memory_space<vmem>>
      %dma_wait3A_113 = tpu.memref_slice %arg23[%mul3A_36] : memref<135168xf32, #tpu.memory_space<vmem_shared>> -> memref<8448xf32, #tpu.memory_space<vmem_shared>>
      %dma_wait3A_114 = tpu.memref_slice %arg23[%mul3A_36] : memref<135168xf32, #tpu.memory_space<vmem_shared>> -> memref<8448xf32, #tpu.memory_space<vmem_shared>>
      %dma_wait3A_115 = arith.constant 0 : i32
      %dma_wait3A_116 = tpu.memref_slice %arg12[%dma_wait3A_115] : memref<10000xf32, #tpu.memory_space<vmem>> -> memref<8448xf32, #tpu.memory_space<vmem>>
      tpu.wait_dma2 semaphore(%run_scoped3A : memref<!tpu.dma_semaphore, #tpu.memory_space<semaphore_mem>>) src(%dma_wait3A_116 : memref<8448xf32, #tpu.memory_space<vmem>>) dst(%dma_wait3A_114 : memref<8448xf32, #tpu.memory_space<vmem_shared>>)
      tpu.yield
    }) : () -> ()
    %mul3A_37 = arith.constant 528 : i32
    %mul3A_38 = arith.muli %arg1, %mul3A_37 : i32
    "tpu.region"() ({
      %run_scoped3A = tpu.sem_alloc : memref<!tpu.dma_semaphore, #tpu.memory_space<semaphore_mem>>
      %dma_start3A_105 = arith.constant 0 : i32
      %dma_start3A_106 = tpu.memref_slice %arg12[%dma_start3A_105] : memref<10000xf32, #tpu.memory_space<vmem>> -> memref<528xf32, #tpu.memory_space<vmem>>
      %dma_start3A_107 = tpu.memref_slice %arg24[%mul3A_38] : memref<8448xf32, #tpu.memory_space<vmem_shared>> -> memref<528xf32, #tpu.memory_space<vmem_shared>>
      %dma_start3A_108 = tpu.memref_slice %arg24[%mul3A_38] : memref<8448xf32, #tpu.memory_space<vmem_shared>> -> memref<528xf32, #tpu.memory_space<vmem_shared>>
      %dma_start3A_109 = arith.constant 0 : i32
      %dma_start3A_110 = tpu.memref_slice %arg12[%dma_start3A_109] : memref<10000xf32, #tpu.memory_space<vmem>> -> memref<528xf32, #tpu.memory_space<vmem>>
      tpu.enqueue_dma source(%dma_start3A_110 : memref<528xf32, #tpu.memory_space<vmem>>) target(%dma_start3A_108 : memref<528xf32, #tpu.memory_space<vmem_shared>>) target_semaphore(%run_scoped3A : memref<!tpu.dma_semaphore, #tpu.memory_space<semaphore_mem>>)
      %dma_wait3A_111 = arith.constant 0 : i32
      %dma_wait3A_112 = tpu.memref_slice %arg12[%dma_wait3A_111] : memref<10000xf32, #tpu.memory_space<vmem>> -> memref<528xf32, #tpu.memory_space<vmem>>
      %dma_wait3A_113 = tpu.memref_slice %arg24[%mul3A_38] : memref<8448xf32, #tpu.memory_space<vmem_shared>> -> memref<528xf32, #tpu.memory_space<vmem_shared>>
      %dma_wait3A_114 = tpu.memref_slice %arg24[%mul3A_38] : memref<8448xf32, #tpu.memory_space<vmem_shared>> -> memref<528xf32, #tpu.memory_space<vmem_shared>>
      %dma_wait3A_115 = arith.constant 0 : i32
      %dma_wait3A_116 = tpu.memref_slice %arg12[%dma_wait3A_115] : memref<10000xf32, #tpu.memory_space<vmem>> -> memref<528xf32, #tpu.memory_space<vmem>>
      tpu.wait_dma2 semaphore(%run_scoped3A : memref<!tpu.dma_semaphore, #tpu.memory_space<semaphore_mem>>) src(%dma_wait3A_116 : memref<528xf32, #tpu.memory_space<vmem>>) dst(%dma_wait3A_114 : memref<528xf32, #tpu.memory_space<vmem_shared>>)
      tpu.yield
    }) : () -> ()
    %barrier3A = arith.constant 0 : index
    tpu.barrier barrier_id(%barrier3A)
    %dma_wait3A = tpu.memref_slice %arg2[%mul3A_6] : memref<320000xi32, #tpu.memory_space<hbm>> -> memref<10000xi32, #tpu.memory_space<hbm>>
    %dma_wait3A_39 = tpu.memref_slice %arg2[%mul3A_6] : memref<320000xi32, #tpu.memory_space<hbm>> -> memref<10000xi32, #tpu.memory_space<hbm>>
    tpu.wait_dma2 semaphore(%arg19 : memref<!tpu.dma_semaphore, #tpu.memory_space<semaphore_mem>>) src(%dma_wait3A_39 : memref<10000xi32, #tpu.memory_space<hbm>>) dst(%arg9 : memref<10000xi32, #tpu.memory_space<vmem>>)
    "tpu.region"() ({
      %run_scoped3A = tpu.sem_alloc : memref<!tpu.dma_semaphore, #tpu.memory_space<semaphore_mem>>
      %dma_start3A_105 = arith.constant 0 : i32
      %dma_start3A_106 = tpu.memref_slice %arg22[%dma_start3A_105] : memref<160000xf32, #tpu.memory_space<vmem_shared>> -> memref<160000xf32, #tpu.memory_space<vmem_shared>>
      tpu.enqueue_indirect_dma source(%arg11 : memref<10000xf32, #tpu.memory_space<vmem>>) target(%dma_start3A_106 : memref<160000xf32, #tpu.memory_space<vmem_shared>>) offsets(%arg9 : memref<10000xi32, #tpu.memory_space<vmem>>) semaphore(%run_scoped3A : memref<!tpu.dma_semaphore, #tpu.memory_space<semaphore_mem>>) {add = true}
      %dma_wait3A_107 = arith.constant 0 : i32
      %dma_wait3A_108 = tpu.memref_slice %arg22[%dma_wait3A_107] : memref<160000xf32, #tpu.memory_space<vmem_shared>> -> memref<160000xf32, #tpu.memory_space<vmem_shared>>
      tpu.wait_indirect_dma semaphore(%run_scoped3A : memref<!tpu.dma_semaphore, #tpu.memory_space<semaphore_mem>>) src(%arg11 : memref<10000xf32, #tpu.memory_space<vmem>>) dst(%dma_wait3A_108 : memref<160000xf32, #tpu.memory_space<vmem_shared>>)
      tpu.yield
    }) : () -> ()
    %dma_wait3A_40 = tpu.memref_slice %arg2[%mul3A_9] : memref<320000xi32, #tpu.memory_space<hbm>> -> memref<10000xi32, #tpu.memory_space<hbm>>
    %dma_wait3A_41 = tpu.memref_slice %arg2[%mul3A_9] : memref<320000xi32, #tpu.memory_space<hbm>> -> memref<10000xi32, #tpu.memory_space<hbm>>
    tpu.wait_dma2 semaphore(%arg20 : memref<!tpu.dma_semaphore, #tpu.memory_space<semaphore_mem>>) src(%dma_wait3A_41 : memref<10000xi32, #tpu.memory_space<hbm>>) dst(%arg8 : memref<10000xi32, #tpu.memory_space<vmem>>)
    "tpu.region"() ({
      %run_scoped3A = tpu.sem_alloc : memref<!tpu.dma_semaphore, #tpu.memory_space<semaphore_mem>>
      %dma_start3A_105 = arith.constant 0 : i32
      %dma_start3A_106 = tpu.memref_slice %arg22[%dma_start3A_105] : memref<160000xf32, #tpu.memory_space<vmem_shared>> -> memref<160000xf32, #tpu.memory_space<vmem_shared>>
      tpu.enqueue_indirect_dma source(%arg11 : memref<10000xf32, #tpu.memory_space<vmem>>) target(%dma_start3A_106 : memref<160000xf32, #tpu.memory_space<vmem_shared>>) offsets(%arg8 : memref<10000xi32, #tpu.memory_space<vmem>>) semaphore(%run_scoped3A : memref<!tpu.dma_semaphore, #tpu.memory_space<semaphore_mem>>) {add = true}
      %dma_wait3A_107 = arith.constant 0 : i32
      %dma_wait3A_108 = tpu.memref_slice %arg22[%dma_wait3A_107] : memref<160000xf32, #tpu.memory_space<vmem_shared>> -> memref<160000xf32, #tpu.memory_space<vmem_shared>>
      tpu.wait_indirect_dma semaphore(%run_scoped3A : memref<!tpu.dma_semaphore, #tpu.memory_space<semaphore_mem>>) src(%arg11 : memref<10000xf32, #tpu.memory_space<vmem>>) dst(%dma_wait3A_108 : memref<160000xf32, #tpu.memory_space<vmem_shared>>)
      tpu.yield
    }) : () -> ()
    tpu.wait_dma2 semaphore(%arg17 : memref<!tpu.dma_semaphore, #tpu.memory_space<semaphore_mem>>) src(%arg4 : memref<10000xi32, #tpu.memory_space<hbm>>) dst(%arg13 : memref<10000xi32, #tpu.memory_space<vmem>>)
    tpu.wait_dma2 semaphore(%arg18 : memref<!tpu.dma_semaphore, #tpu.memory_space<semaphore_mem>>) src(%arg5 : memref<10000xi32, #tpu.memory_space<hbm>>) dst(%arg14 : memref<10000xi32, #tpu.memory_space<vmem>>)
    %mul3A_42 = arith.constant 313 : i32
    %mul3A_43 = arith.muli %add3A, %mul3A_42 : i32
    %add3A_44 = arith.constant 313 : i32
    %add3A_45 = arith.addi %mul3A_43, %add3A_44 : i32
    %min3A = arith.constant 10000 : i32
    %min3A_46 = arith.minsi %add3A_45, %min3A : i32
    %scan3A_47 = arith.constant 0 : i32
    %scan3A_48 = arith.constant 0 : i32
    %scan3A_49 = arith.constant 20 : i32
    %scan3A_50 = arith.addi %scan3A_48, %scan3A_49 : i32
    %scan3A_51 = arith.constant 4 : i32
    scf.for %scan3A_105 = %scan3A_48 to %scan3A_50 step %scan3A_51  : i32 {
      %mul3A_106 = arith.constant 16 : i32
      %mul3A_107 = arith.muli %scan3A_105, %mul3A_106 : i32
      %add3A_108 = arith.addi %mul3A_43, %mul3A_107 : i32
      %add3A_109 = vector.broadcast %add3A_108 : i32 to vector<16xi32>
      %add3A_110 = arith.addi %add3A_109, %iota3A : vector<16xi32>
      %lt3A = vector.broadcast %min3A_46 : i32 to vector<16xi32>
      %lt3A_111 = arith.cmpi slt, %add3A_110, %lt3A : vector<16xi32>
      %min3A_112 = arith.constant 9999 : i32
      %min3A_113 = vector.broadcast %min3A_112 : i32 to vector<16xi32>
      %min3A_114 = arith.minsi %add3A_110, %min3A_113 : vector<16xi32>
      %gather3A_115 = tpu.vector_load_idx %arg14[%min3A_114] : memref<10000xi32, #tpu.memory_space<vmem>>[vector<16xi32>], vector<16xi32>,
      %gather3A_116 = tpu.vector_load_idx %arg13[%min3A_114] : memref<10000xi32, #tpu.memory_space<vmem>>[vector<16xi32>], vector<16xi32>,
      %mul3A_117 = arith.constant 256 : i32
      %mul3A_118 = vector.broadcast %mul3A_117 : i32 to vector<16xi32>
      %mul3A_119 = arith.muli %gather3A_116, %mul3A_118 : vector<16xi32>
      %add3A_120 = arith.addi %mul3A_119, %gather3A_115 : vector<16xi32>
      %mul3A_121 = arith.constant 16 : i32
      %mul3A_122 = arith.muli %scan3A_105, %mul3A_121 : i32
      %swap3A_123 = arith.index_cast %mul3A_122 : i32 to index
      %swap3A_124 = tpu.vector_load %arg15[%swap3A_123] {strides = array<i32>} : memref<320xi32, #tpu.memory_space<vmem>>, vector<16xi32>,
      tpu.vector_store %arg15[%swap3A_123], %add3A_120 {strides = array<i32>} : memref<320xi32, #tpu.memory_space<vmem>>, vector<16xi32>,
      %jit3A = arith.constant 1.000000e+00 : f32
      %jit3A_125 = arith.constant 0.000000e+00 : f32
      %broadcast_in_dim3A_126 = vector.broadcast %jit3A : f32 to vector<16xf32>
      %broadcast_in_dim3A_127 = vector.broadcast %jit3A_125 : f32 to vector<16xf32>
      %select_n3A = arith.select %lt3A_111, %broadcast_in_dim3A_126, %broadcast_in_dim3A_127 : vector<16xi1>, vector<16xf32>
      %mul3A_128 = arith.constant 16 : i32
      %mul3A_129 = arith.muli %scan3A_105, %mul3A_128 : i32
      %swap3A_130 = arith.index_cast %mul3A_129 : i32 to index
      %swap3A_131 = tpu.vector_load %arg16[%swap3A_130] {strides = array<i32>} : memref<320xf32, #tpu.memory_space<vmem>>, vector<16xf32>,
      tpu.vector_store %arg16[%swap3A_130], %select_n3A {strides = array<i32>} : memref<320xf32, #tpu.memory_space<vmem>>, vector<16xf32>,
      %scan3A_132 = arith.constant 1 : i32
      %scan3A_133 = arith.addi %scan3A_105, %scan3A_132 : i32
      %mul3A_134 = arith.constant 16 : i32
      %mul3A_135 = arith.muli %scan3A_133, %mul3A_134 : i32
      %add3A_136 = arith.addi %mul3A_43, %mul3A_135 : i32
      %add3A_137 = vector.broadcast %add3A_136 : i32 to vector<16xi32>
      %add3A_138 = arith.addi %add3A_137, %iota3A : vector<16xi32>
      %lt3A_139 = vector.broadcast %min3A_46 : i32 to vector<16xi32>
      %lt3A_140 = arith.cmpi slt, %add3A_138, %lt3A_139 : vector<16xi32>
      %min3A_141 = arith.constant 9999 : i32
      %min3A_142 = vector.broadcast %min3A_141 : i32 to vector<16xi32>
      %min3A_143 = arith.minsi %add3A_138, %min3A_142 : vector<16xi32>
      %gather3A_144 = tpu.vector_load_idx %arg14[%min3A_143] : memref<10000xi32, #tpu.memory_space<vmem>>[vector<16xi32>], vector<16xi32>,
      %gather3A_145 = tpu.vector_load_idx %arg13[%min3A_143] : memref<10000xi32, #tpu.memory_space<vmem>>[vector<16xi32>], vector<16xi32>,
      %mul3A_146 = arith.constant 256 : i32
      %mul3A_147 = vector.broadcast %mul3A_146 : i32 to vector<16xi32>
      %mul3A_148 = arith.muli %gather3A_145, %mul3A_147 : vector<16xi32>
      %add3A_149 = arith.addi %mul3A_148, %gather3A_144 : vector<16xi32>
      %mul3A_150 = arith.constant 16 : i32
      %mul3A_151 = arith.muli %scan3A_133, %mul3A_150 : i32
      %swap3A_152 = arith.index_cast %mul3A_151 : i32 to index
      %swap3A_153 = tpu.vector_load %arg15[%swap3A_152] {strides = array<i32>} : memref<320xi32, #tpu.memory_space<vmem>>, vector<16xi32>,
      tpu.vector_store %arg15[%swap3A_152], %add3A_149 {strides = array<i32>} : memref<320xi32, #tpu.memory_space<vmem>>, vector<16xi32>,
      %jit3A_154 = arith.constant 1.000000e+00 : f32
      %jit3A_155 = arith.constant 0.000000e+00 : f32
      %broadcast_in_dim3A_156 = vector.broadcast %jit3A_154 : f32 to vector<16xf32>
      %broadcast_in_dim3A_157 = vector.broadcast %jit3A_155 : f32 to vector<16xf32>
      %select_n3A_158 = arith.select %lt3A_140, %broadcast_in_dim3A_156, %broadcast_in_dim3A_157 : vector<16xi1>, vector<16xf32>
      %mul3A_159 = arith.constant 16 : i32
      %mul3A_160 = arith.muli %scan3A_133, %mul3A_159 : i32
      %swap3A_161 = arith.index_cast %mul3A_160 : i32 to index
      %swap3A_162 = tpu.vector_load %arg16[%swap3A_161] {strides = array<i32>} : memref<320xf32, #tpu.memory_space<vmem>>, vector<16xf32>,
      tpu.vector_store %arg16[%swap3A_161], %select_n3A_158 {strides = array<i32>} : memref<320xf32, #tpu.memory_space<vmem>>, vector<16xf32>,
      %scan3A_163 = arith.constant 2 : i32
      %scan3A_164 = arith.addi %scan3A_105, %scan3A_163 : i32
      %mul3A_165 = arith.constant 16 : i32
      %mul3A_166 = arith.muli %scan3A_164, %mul3A_165 : i32
      %add3A_167 = arith.addi %mul3A_43, %mul3A_166 : i32
      %add3A_168 = vector.broadcast %add3A_167 : i32 to vector<16xi32>
      %add3A_169 = arith.addi %add3A_168, %iota3A : vector<16xi32>
      %lt3A_170 = vector.broadcast %min3A_46 : i32 to vector<16xi32>
      %lt3A_171 = arith.cmpi slt, %add3A_169, %lt3A_170 : vector<16xi32>
      %min3A_172 = arith.constant 9999 : i32
      %min3A_173 = vector.broadcast %min3A_172 : i32 to vector<16xi32>
      %min3A_174 = arith.minsi %add3A_169, %min3A_173 : vector<16xi32>
      %gather3A_175 = tpu.vector_load_idx %arg14[%min3A_174] : memref<10000xi32, #tpu.memory_space<vmem>>[vector<16xi32>], vector<16xi32>,
      %gather3A_176 = tpu.vector_load_idx %arg13[%min3A_174] : memref<10000xi32, #tpu.memory_space<vmem>>[vector<16xi32>], vector<16xi32>,
      %mul3A_177 = arith.constant 256 : i32
      %mul3A_178 = vector.broadcast %mul3A_177 : i32 to vector<16xi32>
      %mul3A_179 = arith.muli %gather3A_176, %mul3A_178 : vector<16xi32>
      %add3A_180 = arith.addi %mul3A_179, %gather3A_175 : vector<16xi32>
      %mul3A_181 = arith.constant 16 : i32
      %mul3A_182 = arith.muli %scan3A_164, %mul3A_181 : i32
      %swap3A_183 = arith.index_cast %mul3A_182 : i32 to index
      %swap3A_184 = tpu.vector_load %arg15[%swap3A_183] {strides = array<i32>} : memref<320xi32, #tpu.memory_space<vmem>>, vector<16xi32>,
      tpu.vector_store %arg15[%swap3A_183], %add3A_180 {strides = array<i32>} : memref<320xi32, #tpu.memory_space<vmem>>, vector<16xi32>,
      %jit3A_185 = arith.constant 1.000000e+00 : f32
      %jit3A_186 = arith.constant 0.000000e+00 : f32
      %broadcast_in_dim3A_187 = vector.broadcast %jit3A_185 : f32 to vector<16xf32>
      %broadcast_in_dim3A_188 = vector.broadcast %jit3A_186 : f32 to vector<16xf32>
      %select_n3A_189 = arith.select %lt3A_171, %broadcast_in_dim3A_187, %broadcast_in_dim3A_188 : vector<16xi1>, vector<16xf32>
      %mul3A_190 = arith.constant 16 : i32
      %mul3A_191 = arith.muli %scan3A_164, %mul3A_190 : i32
      %swap3A_192 = arith.index_cast %mul3A_191 : i32 to index
      %swap3A_193 = tpu.vector_load %arg16[%swap3A_192] {strides = array<i32>} : memref<320xf32, #tpu.memory_space<vmem>>, vector<16xf32>,
      tpu.vector_store %arg16[%swap3A_192], %select_n3A_189 {strides = array<i32>} : memref<320xf32, #tpu.memory_space<vmem>>, vector<16xf32>,
      %scan3A_194 = arith.constant 3 : i32
      %scan3A_195 = arith.addi %scan3A_105, %scan3A_194 : i32
      %mul3A_196 = arith.constant 16 : i32
      %mul3A_197 = arith.muli %scan3A_195, %mul3A_196 : i32
      %add3A_198 = arith.addi %mul3A_43, %mul3A_197 : i32
      %add3A_199 = vector.broadcast %add3A_198 : i32 to vector<16xi32>
      %add3A_200 = arith.addi %add3A_199, %iota3A : vector<16xi32>
      %lt3A_201 = vector.broadcast %min3A_46 : i32 to vector<16xi32>
      %lt3A_202 = arith.cmpi slt, %add3A_200, %lt3A_201 : vector<16xi32>
      %min3A_203 = arith.constant 9999 : i32
      %min3A_204 = vector.broadcast %min3A_203 : i32 to vector<16xi32>
      %min3A_205 = arith.minsi %add3A_200, %min3A_204 : vector<16xi32>
      %gather3A_206 = tpu.vector_load_idx %arg14[%min3A_205] : memref<10000xi32, #tpu.memory_space<vmem>>[vector<16xi32>], vector<16xi32>,
      %gather3A_207 = tpu.vector_load_idx %arg13[%min3A_205] : memref<10000xi32, #tpu.memory_space<vmem>>[vector<16xi32>], vector<16xi32>,
      %mul3A_208 = arith.constant 256 : i32
      %mul3A_209 = vector.broadcast %mul3A_208 : i32 to vector<16xi32>
      %mul3A_210 = arith.muli %gather3A_207, %mul3A_209 : vector<16xi32>
      %add3A_211 = arith.addi %mul3A_210, %gather3A_206 : vector<16xi32>
      %mul3A_212 = arith.constant 16 : i32
      %mul3A_213 = arith.muli %scan3A_195, %mul3A_212 : i32
      %swap3A_214 = arith.index_cast %mul3A_213 : i32 to index
      %swap3A_215 = tpu.vector_load %arg15[%swap3A_214] {strides = array<i32>} : memref<320xi32, #tpu.memory_space<vmem>>, vector<16xi32>,
      tpu.vector_store %arg15[%swap3A_214], %add3A_211 {strides = array<i32>} : memref<320xi32, #tpu.memory_space<vmem>>, vector<16xi32>,
      %jit3A_216 = arith.constant 1.000000e+00 : f32
      %jit3A_217 = arith.constant 0.000000e+00 : f32
      %broadcast_in_dim3A_218 = vector.broadcast %jit3A_216 : f32 to vector<16xf32>
      %broadcast_in_dim3A_219 = vector.broadcast %jit3A_217 : f32 to vector<16xf32>
      %select_n3A_220 = arith.select %lt3A_202, %broadcast_in_dim3A_218, %broadcast_in_dim3A_219 : vector<16xi1>, vector<16xf32>
      %mul3A_221 = arith.constant 16 : i32
      %mul3A_222 = arith.muli %scan3A_195, %mul3A_221 : i32
      %swap3A_223 = arith.index_cast %mul3A_222 : i32 to index
      %swap3A_224 = tpu.vector_load %arg16[%swap3A_223] {strides = array<i32>} : memref<320xf32, #tpu.memory_space<vmem>>, vector<16xf32>,
      tpu.vector_store %arg16[%swap3A_223], %select_n3A_220 {strides = array<i32>} : memref<320xf32, #tpu.memory_space<vmem>>, vector<16xf32>,
    }
    %scan3A_52 = arith.constant 20 : i32
    "tpu.region"() ({
      %run_scoped3A = tpu.sem_alloc : memref<!tpu.dma_semaphore, #tpu.memory_space<semaphore_mem>>
      %dma_start3A_105 = arith.constant 0 : i32
      %dma_start3A_106 = tpu.memref_slice %arg24[%dma_start3A_105] : memref<8448xf32, #tpu.memory_space<vmem_shared>> -> memref<8448xf32, #tpu.memory_space<vmem_shared>>
      tpu.enqueue_indirect_dma source(%arg16 : memref<320xf32, #tpu.memory_space<vmem>>) target(%dma_start3A_106 : memref<8448xf32, #tpu.memory_space<vmem_shared>>) offsets(%arg15 : memref<320xi32, #tpu.memory_space<vmem>>) semaphore(%run_scoped3A : memref<!tpu.dma_semaphore, #tpu.memory_space<semaphore_mem>>) {add = true}
      %dma_wait3A_107 = arith.constant 0 : i32
      %dma_wait3A_108 = tpu.memref_slice %arg24[%dma_wait3A_107] : memref<8448xf32, #tpu.memory_space<vmem_shared>> -> memref<8448xf32, #tpu.memory_space<vmem_shared>>
      tpu.wait_indirect_dma semaphore(%run_scoped3A : memref<!tpu.dma_semaphore, #tpu.memory_space<semaphore_mem>>) src(%arg16 : memref<320xf32, #tpu.memory_space<vmem>>) dst(%dma_wait3A_108 : memref<8448xf32, #tpu.memory_space<vmem_shared>>)
      tpu.yield
    }) : () -> ()
    %barrier3A_53 = arith.constant 0 : index
    tpu.barrier barrier_id(%barrier3A_53)
    %dma_wait3A_54 = tpu.memref_slice %arg3[%mul3A_13] : memref<640000xi32, #tpu.memory_space<hbm>> -> memref<10000xi32, #tpu.memory_space<hbm>>
    %dma_wait3A_55 = tpu.memref_slice %arg3[%mul3A_13] : memref<640000xi32, #tpu.memory_space<hbm>> -> memref<10000xi32, #tpu.memory_space<hbm>>
    tpu.wait_dma2 semaphore(%arg21 : memref<!tpu.dma_semaphore, #tpu.memory_space<semaphore_mem>>) src(%dma_wait3A_55 : memref<10000xi32, #tpu.memory_space<hbm>>) dst(%arg10 : memref<10000xi32, #tpu.memory_space<vmem>>)
    "tpu.region"() ({
      %run_scoped3A = tpu.sem_alloc : memref<!tpu.dma_semaphore, #tpu.memory_space<semaphore_mem>>
      %dma_start3A_105 = arith.constant 0 : i32
      %dma_start3A_106 = tpu.memref_slice %arg22[%dma_start3A_105] : memref<160000xf32, #tpu.memory_space<vmem_shared>> -> memref<160000xf32, #tpu.memory_space<vmem_shared>>
      tpu.enqueue_indirect_dma source(%dma_start3A_106 : memref<160000xf32, #tpu.memory_space<vmem_shared>>) target(%arg12 : memref<10000xf32, #tpu.memory_space<vmem>>) offsets(%arg8 : memref<10000xi32, #tpu.memory_space<vmem>>) semaphore(%run_scoped3A : memref<!tpu.dma_semaphore, #tpu.memory_space<semaphore_mem>>)
      %dma_wait3A_107 = arith.constant 0 : i32
      %dma_wait3A_108 = tpu.memref_slice %arg22[%dma_wait3A_107] : memref<160000xf32, #tpu.memory_space<vmem_shared>> -> memref<160000xf32, #tpu.memory_space<vmem_shared>>
      tpu.wait_indirect_dma semaphore(%run_scoped3A : memref<!tpu.dma_semaphore, #tpu.memory_space<semaphore_mem>>) src(%dma_wait3A_108 : memref<160000xf32, #tpu.memory_space<vmem_shared>>) dst(%arg12 : memref<10000xf32, #tpu.memory_space<vmem>>)
      tpu.yield
    }) : () -> ()
    %scan3A_56 = arith.constant 0 : i32
    %scan3A_57 = arith.constant 0 : i32
    %scan3A_58 = arith.constant 624 : i32
    %scan3A_59 = arith.addi %scan3A_57, %scan3A_58 : i32
    %scan3A_60 = arith.constant 8 : i32
    scf.for %scan3A_105 = %scan3A_57 to %scan3A_59 step %scan3A_60  : i32 {
      %mul3A_106 = arith.constant 16 : i32
      %mul3A_107 = arith.muli %scan3A_105, %mul3A_106 : i32
      %get3A_108 = arith.index_cast %mul3A_107 : i32 to index
      %get3A_109 = tpu.vector_load %arg8[%get3A_108] {strides = array<i32>} : memref<10000xi32, #tpu.memory_space<vmem>>, vector<16xi32>,
      %shift_right_arithmetic3A_110 = arith.constant 4 : i32
      %shift_right_arithmetic3A_111 = vector.broadcast %shift_right_arithmetic3A_110 : i32 to vector<16xi32>
      %shift_right_arithmetic3A_112 = arith.shrsi %get3A_109, %shift_right_arithmetic3A_111 : vector<16xi32>
      %gather3A_113 = tpu.vector_load_idx %arg14[%shift_right_arithmetic3A_112] : memref<10000xi32, #tpu.memory_space<vmem>>[vector<16xi32>], vector<16xi32>,
      %get3A_114 = arith.index_cast %mul3A_107 : i32 to index
      %get3A_115 = tpu.vector_load %arg10[%get3A_114] {strides = array<i32>} : memref<10000xi32, #tpu.memory_space<vmem>>, vector<16xi32>,
      %gather3A_116 = tpu.vector_load_idx %arg13[%get3A_115] : memref<10000xi32, #tpu.memory_space<vmem>>[vector<16xi32>], vector<16xi32>,
      %and3A_117 = arith.constant 15 : i32
      %and3A_118 = vector.broadcast %and3A_117 : i32 to vector<16xi32>
      %and3A_119 = arith.andi %get3A_109, %and3A_118 : vector<16xi32>
      %mul3A_120 = arith.constant 8448 : i32
      %mul3A_121 = vector.broadcast %mul3A_120 : i32 to vector<16xi32>
      %mul3A_122 = arith.muli %and3A_119, %mul3A_121 : vector<16xi32>
      %mul3A_123 = arith.constant 256 : i32
      %mul3A_124 = vector.broadcast %mul3A_123 : i32 to vector<16xi32>
      %mul3A_125 = arith.muli %gather3A_116, %mul3A_124 : vector<16xi32>
      %add3A_126 = arith.addi %mul3A_122, %mul3A_125 : vector<16xi32>
      %add3A_127 = arith.addi %add3A_126, %gather3A_113 : vector<16xi32>
      %swap3A_128 = arith.index_cast %mul3A_107 : i32 to index
      %swap3A_129 = tpu.vector_load %arg8[%swap3A_128] {strides = array<i32>} : memref<10000xi32, #tpu.memory_space<vmem>>, vector<16xi32>,
      tpu.vector_store %arg8[%swap3A_128], %add3A_127 {strides = array<i32>} : memref<10000xi32, #tpu.memory_space<vmem>>, vector<16xi32>,
      %get3A_130 = arith.index_cast %mul3A_107 : i32 to index
      %get3A_131 = tpu.vector_load %arg12[%get3A_130] {strides = array<i32>} : memref<10000xf32, #tpu.memory_space<vmem>>, vector<16xf32>,
      %div3A_132 = arith.constant 1.000000e+00 : f32
      %div3A_133 = vector.broadcast %div3A_132 : f32 to vector<16xf32>
      %div3A_134 = arith.divf %div3A_133, %get3A_131 : vector<16xf32>
      %swap3A_135 = arith.index_cast %mul3A_107 : i32 to index
      %swap3A_136 = tpu.vector_load %arg12[%swap3A_135] {strides = array<i32>} : memref<10000xf32, #tpu.memory_space<vmem>>, vector<16xf32>,
      tpu.vector_store %arg12[%swap3A_135], %div3A_134 {strides = array<i32>} : memref<10000xf32, #tpu.memory_space<vmem>>, vector<16xf32>,
      %scan3A_137 = arith.constant 1 : i32
      %scan3A_138 = arith.addi %scan3A_105, %scan3A_137 : i32
      %mul3A_139 = arith.constant 16 : i32
      %mul3A_140 = arith.muli %scan3A_138, %mul3A_139 : i32
      %get3A_141 = arith.index_cast %mul3A_140 : i32 to index
      %get3A_142 = tpu.vector_load %arg8[%get3A_141] {strides = array<i32>} : memref<10000xi32, #tpu.memory_space<vmem>>, vector<16xi32>,
      %shift_right_arithmetic3A_143 = arith.constant 4 : i32
      %shift_right_arithmetic3A_144 = vector.broadcast %shift_right_arithmetic3A_143 : i32 to vector<16xi32>
      %shift_right_arithmetic3A_145 = arith.shrsi %get3A_142, %shift_right_arithmetic3A_144 : vector<16xi32>
      %gather3A_146 = tpu.vector_load_idx %arg14[%shift_right_arithmetic3A_145] : memref<10000xi32, #tpu.memory_space<vmem>>[vector<16xi32>], vector<16xi32>,
      %get3A_147 = arith.index_cast %mul3A_140 : i32 to index
      %get3A_148 = tpu.vector_load %arg10[%get3A_147] {strides = array<i32>} : memref<10000xi32, #tpu.memory_space<vmem>>, vector<16xi32>,
      %gather3A_149 = tpu.vector_load_idx %arg13[%get3A_148] : memref<10000xi32, #tpu.memory_space<vmem>>[vector<16xi32>], vector<16xi32>,
      %and3A_150 = arith.constant 15 : i32
      %and3A_151 = vector.broadcast %and3A_150 : i32 to vector<16xi32>
      %and3A_152 = arith.andi %get3A_142, %and3A_151 : vector<16xi32>
      %mul3A_153 = arith.constant 8448 : i32
      %mul3A_154 = vector.broadcast %mul3A_153 : i32 to vector<16xi32>
      %mul3A_155 = arith.muli %and3A_152, %mul3A_154 : vector<16xi32>
      %mul3A_156 = arith.constant 256 : i32
      %mul3A_157 = vector.broadcast %mul3A_156 : i32 to vector<16xi32>
      %mul3A_158 = arith.muli %gather3A_149, %mul3A_157 : vector<16xi32>
      %add3A_159 = arith.addi %mul3A_155, %mul3A_158 : vector<16xi32>
      %add3A_160 = arith.addi %add3A_159, %gather3A_146 : vector<16xi32>
      %swap3A_161 = arith.index_cast %mul3A_140 : i32 to index
      %swap3A_162 = tpu.vector_load %arg8[%swap3A_161] {strides = array<i32>} : memref<10000xi32, #tpu.memory_space<vmem>>, vector<16xi32>,
      tpu.vector_store %arg8[%swap3A_161], %add3A_160 {strides = array<i32>} : memref<10000xi32, #tpu.memory_space<vmem>>, vector<16xi32>,
      %get3A_163 = arith.index_cast %mul3A_140 : i32 to index
      %get3A_164 = tpu.vector_load %arg12[%get3A_163] {strides = array<i32>} : memref<10000xf32, #tpu.memory_space<vmem>>, vector<16xf32>,
      %div3A_165 = arith.constant 1.000000e+00 : f32
      %div3A_166 = vector.broadcast %div3A_165 : f32 to vector<16xf32>
      %div3A_167 = arith.divf %div3A_166, %get3A_164 : vector<16xf32>
      %swap3A_168 = arith.index_cast %mul3A_140 : i32 to index
      %swap3A_169 = tpu.vector_load %arg12[%swap3A_168] {strides = array<i32>} : memref<10000xf32, #tpu.memory_space<vmem>>, vector<16xf32>,
      tpu.vector_store %arg12[%swap3A_168], %div3A_167 {strides = array<i32>} : memref<10000xf32, #tpu.memory_space<vmem>>, vector<16xf32>,
      %scan3A_170 = arith.constant 2 : i32
      %scan3A_171 = arith.addi %scan3A_105, %scan3A_170 : i32
      %mul3A_172 = arith.constant 16 : i32
      %mul3A_173 = arith.muli %scan3A_171, %mul3A_172 : i32
      %get3A_174 = arith.index_cast %mul3A_173 : i32 to index
      %get3A_175 = tpu.vector_load %arg8[%get3A_174] {strides = array<i32>} : memref<10000xi32, #tpu.memory_space<vmem>>, vector<16xi32>,
      %shift_right_arithmetic3A_176 = arith.constant 4 : i32
      %shift_right_arithmetic3A_177 = vector.broadcast %shift_right_arithmetic3A_176 : i32 to vector<16xi32>
      %shift_right_arithmetic3A_178 = arith.shrsi %get3A_175, %shift_right_arithmetic3A_177 : vector<16xi32>
      %gather3A_179 = tpu.vector_load_idx %arg14[%shift_right_arithmetic3A_178] : memref<10000xi32, #tpu.memory_space<vmem>>[vector<16xi32>], vector<16xi32>,
      %get3A_180 = arith.index_cast %mul3A_173 : i32 to index
      %get3A_181 = tpu.vector_load %arg10[%get3A_180] {strides = array<i32>} : memref<10000xi32, #tpu.memory_space<vmem>>, vector<16xi32>,
      %gather3A_182 = tpu.vector_load_idx %arg13[%get3A_181] : memref<10000xi32, #tpu.memory_space<vmem>>[vector<16xi32>], vector<16xi32>,
      %and3A_183 = arith.constant 15 : i32
      %and3A_184 = vector.broadcast %and3A_183 : i32 to vector<16xi32>
      %and3A_185 = arith.andi %get3A_175, %and3A_184 : vector<16xi32>
      %mul3A_186 = arith.constant 8448 : i32
      %mul3A_187 = vector.broadcast %mul3A_186 : i32 to vector<16xi32>
      %mul3A_188 = arith.muli %and3A_185, %mul3A_187 : vector<16xi32>
      %mul3A_189 = arith.constant 256 : i32
      %mul3A_190 = vector.broadcast %mul3A_189 : i32 to vector<16xi32>
      %mul3A_191 = arith.muli %gather3A_182, %mul3A_190 : vector<16xi32>
      %add3A_192 = arith.addi %mul3A_188, %mul3A_191 : vector<16xi32>
      %add3A_193 = arith.addi %add3A_192, %gather3A_179 : vector<16xi32>
      %swap3A_194 = arith.index_cast %mul3A_173 : i32 to index
      %swap3A_195 = tpu.vector_load %arg8[%swap3A_194] {strides = array<i32>} : memref<10000xi32, #tpu.memory_space<vmem>>, vector<16xi32>,
      tpu.vector_store %arg8[%swap3A_194], %add3A_193 {strides = array<i32>} : memref<10000xi32, #tpu.memory_space<vmem>>, vector<16xi32>,
      %get3A_196 = arith.index_cast %mul3A_173 : i32 to index
      %get3A_197 = tpu.vector_load %arg12[%get3A_196] {strides = array<i32>} : memref<10000xf32, #tpu.memory_space<vmem>>, vector<16xf32>,
      %div3A_198 = arith.constant 1.000000e+00 : f32
      %div3A_199 = vector.broadcast %div3A_198 : f32 to vector<16xf32>
      %div3A_200 = arith.divf %div3A_199, %get3A_197 : vector<16xf32>
      %swap3A_201 = arith.index_cast %mul3A_173 : i32 to index
      %swap3A_202 = tpu.vector_load %arg12[%swap3A_201] {strides = array<i32>} : memref<10000xf32, #tpu.memory_space<vmem>>, vector<16xf32>,
      tpu.vector_store %arg12[%swap3A_201], %div3A_200 {strides = array<i32>} : memref<10000xf32, #tpu.memory_space<vmem>>, vector<16xf32>,
      %scan3A_203 = arith.constant 3 : i32
      %scan3A_204 = arith.addi %scan3A_105, %scan3A_203 : i32
      %mul3A_205 = arith.constant 16 : i32
      %mul3A_206 = arith.muli %scan3A_204, %mul3A_205 : i32
      %get3A_207 = arith.index_cast %mul3A_206 : i32 to index
      %get3A_208 = tpu.vector_load %arg8[%get3A_207] {strides = array<i32>} : memref<10000xi32, #tpu.memory_space<vmem>>, vector<16xi32>,
      %shift_right_arithmetic3A_209 = arith.constant 4 : i32
      %shift_right_arithmetic3A_210 = vector.broadcast %shift_right_arithmetic3A_209 : i32 to vector<16xi32>
      %shift_right_arithmetic3A_211 = arith.shrsi %get3A_208, %shift_right_arithmetic3A_210 : vector<16xi32>
      %gather3A_212 = tpu.vector_load_idx %arg14[%shift_right_arithmetic3A_211] : memref<10000xi32, #tpu.memory_space<vmem>>[vector<16xi32>], vector<16xi32>,
      %get3A_213 = arith.index_cast %mul3A_206 : i32 to index
      %get3A_214 = tpu.vector_load %arg10[%get3A_213] {strides = array<i32>} : memref<10000xi32, #tpu.memory_space<vmem>>, vector<16xi32>,
      %gather3A_215 = tpu.vector_load_idx %arg13[%get3A_214] : memref<10000xi32, #tpu.memory_space<vmem>>[vector<16xi32>], vector<16xi32>,
      %and3A_216 = arith.constant 15 : i32
      %and3A_217 = vector.broadcast %and3A_216 : i32 to vector<16xi32>
      %and3A_218 = arith.andi %get3A_208, %and3A_217 : vector<16xi32>
      %mul3A_219 = arith.constant 8448 : i32
      %mul3A_220 = vector.broadcast %mul3A_219 : i32 to vector<16xi32>
      %mul3A_221 = arith.muli %and3A_218, %mul3A_220 : vector<16xi32>
      %mul3A_222 = arith.constant 256 : i32
      %mul3A_223 = vector.broadcast %mul3A_222 : i32 to vector<16xi32>
      %mul3A_224 = arith.muli %gather3A_215, %mul3A_223 : vector<16xi32>
      %add3A_225 = arith.addi %mul3A_221, %mul3A_224 : vector<16xi32>
      %add3A_226 = arith.addi %add3A_225, %gather3A_212 : vector<16xi32>
      %swap3A_227 = arith.index_cast %mul3A_206 : i32 to index
      %swap3A_228 = tpu.vector_load %arg8[%swap3A_227] {strides = array<i32>} : memref<10000xi32, #tpu.memory_space<vmem>>, vector<16xi32>,
      tpu.vector_store %arg8[%swap3A_227], %add3A_226 {strides = array<i32>} : memref<10000xi32, #tpu.memory_space<vmem>>, vector<16xi32>,
      %get3A_229 = arith.index_cast %mul3A_206 : i32 to index
      %get3A_230 = tpu.vector_load %arg12[%get3A_229] {strides = array<i32>} : memref<10000xf32, #tpu.memory_space<vmem>>, vector<16xf32>,
      %div3A_231 = arith.constant 1.000000e+00 : f32
      %div3A_232 = vector.broadcast %div3A_231 : f32 to vector<16xf32>
      %div3A_233 = arith.divf %div3A_232, %get3A_230 : vector<16xf32>
      %swap3A_234 = arith.index_cast %mul3A_206 : i32 to index
      %swap3A_235 = tpu.vector_load %arg12[%swap3A_234] {strides = array<i32>} : memref<10000xf32, #tpu.memory_space<vmem>>, vector<16xf32>,
      tpu.vector_store %arg12[%swap3A_234], %div3A_233 {strides = array<i32>} : memref<10000xf32, #tpu.memory_space<vmem>>, vector<16xf32>,
      %scan3A_236 = arith.constant 4 : i32
      %scan3A_237 = arith.addi %scan3A_105, %scan3A_236 : i32
      %mul3A_238 = arith.constant 16 : i32
      %mul3A_239 = arith.muli %scan3A_237, %mul3A_238 : i32
      %get3A_240 = arith.index_cast %mul3A_239 : i32 to index
      %get3A_241 = tpu.vector_load %arg8[%get3A_240] {strides = array<i32>} : memref<10000xi32, #tpu.memory_space<vmem>>, vector<16xi32>,
      %shift_right_arithmetic3A_242 = arith.constant 4 : i32
      %shift_right_arithmetic3A_243 = vector.broadcast %shift_right_arithmetic3A_242 : i32 to vector<16xi32>
      %shift_right_arithmetic3A_244 = arith.shrsi %get3A_241, %shift_right_arithmetic3A_243 : vector<16xi32>
      %gather3A_245 = tpu.vector_load_idx %arg14[%shift_right_arithmetic3A_244] : memref<10000xi32, #tpu.memory_space<vmem>>[vector<16xi32>], vector<16xi32>,
      %get3A_246 = arith.index_cast %mul3A_239 : i32 to index
      %get3A_247 = tpu.vector_load %arg10[%get3A_246] {strides = array<i32>} : memref<10000xi32, #tpu.memory_space<vmem>>, vector<16xi32>,
      %gather3A_248 = tpu.vector_load_idx %arg13[%get3A_247] : memref<10000xi32, #tpu.memory_space<vmem>>[vector<16xi32>], vector<16xi32>,
      %and3A_249 = arith.constant 15 : i32
      %and3A_250 = vector.broadcast %and3A_249 : i32 to vector<16xi32>
      %and3A_251 = arith.andi %get3A_241, %and3A_250 : vector<16xi32>
      %mul3A_252 = arith.constant 8448 : i32
      %mul3A_253 = vector.broadcast %mul3A_252 : i32 to vector<16xi32>
      %mul3A_254 = arith.muli %and3A_251, %mul3A_253 : vector<16xi32>
      %mul3A_255 = arith.constant 256 : i32
      %mul3A_256 = vector.broadcast %mul3A_255 : i32 to vector<16xi32>
      %mul3A_257 = arith.muli %gather3A_248, %mul3A_256 : vector<16xi32>
      %add3A_258 = arith.addi %mul3A_254, %mul3A_257 : vector<16xi32>
      %add3A_259 = arith.addi %add3A_258, %gather3A_245 : vector<16xi32>
      %swap3A_260 = arith.index_cast %mul3A_239 : i32 to index
      %swap3A_261 = tpu.vector_load %arg8[%swap3A_260] {strides = array<i32>} : memref<10000xi32, #tpu.memory_space<vmem>>, vector<16xi32>,
      tpu.vector_store %arg8[%swap3A_260], %add3A_259 {strides = array<i32>} : memref<10000xi32, #tpu.memory_space<vmem>>, vector<16xi32>,
      %get3A_262 = arith.index_cast %mul3A_239 : i32 to index
      %get3A_263 = tpu.vector_load %arg12[%get3A_262] {strides = array<i32>} : memref<10000xf32, #tpu.memory_space<vmem>>, vector<16xf32>,
      %div3A_264 = arith.constant 1.000000e+00 : f32
      %div3A_265 = vector.broadcast %div3A_264 : f32 to vector<16xf32>
      %div3A_266 = arith.divf %div3A_265, %get3A_263 : vector<16xf32>
      %swap3A_267 = arith.index_cast %mul3A_239 : i32 to index
      %swap3A_268 = tpu.vector_load %arg12[%swap3A_267] {strides = array<i32>} : memref<10000xf32, #tpu.memory_space<vmem>>, vector<16xf32>,
      tpu.vector_store %arg12[%swap3A_267], %div3A_266 {strides = array<i32>} : memref<10000xf32, #tpu.memory_space<vmem>>, vector<16xf32>,
      %scan3A_269 = arith.constant 5 : i32
      %scan3A_270 = arith.addi %scan3A_105, %scan3A_269 : i32
      %mul3A_271 = arith.constant 16 : i32
      %mul3A_272 = arith.muli %scan3A_270, %mul3A_271 : i32
      %get3A_273 = arith.index_cast %mul3A_272 : i32 to index
      %get3A_274 = tpu.vector_load %arg8[%get3A_273] {strides = array<i32>} : memref<10000xi32, #tpu.memory_space<vmem>>, vector<16xi32>,
      %shift_right_arithmetic3A_275 = arith.constant 4 : i32
      %shift_right_arithmetic3A_276 = vector.broadcast %shift_right_arithmetic3A_275 : i32 to vector<16xi32>
      %shift_right_arithmetic3A_277 = arith.shrsi %get3A_274, %shift_right_arithmetic3A_276 : vector<16xi32>
      %gather3A_278 = tpu.vector_load_idx %arg14[%shift_right_arithmetic3A_277] : memref<10000xi32, #tpu.memory_space<vmem>>[vector<16xi32>], vector<16xi32>,
      %get3A_279 = arith.index_cast %mul3A_272 : i32 to index
      %get3A_280 = tpu.vector_load %arg10[%get3A_279] {strides = array<i32>} : memref<10000xi32, #tpu.memory_space<vmem>>, vector<16xi32>,
      %gather3A_281 = tpu.vector_load_idx %arg13[%get3A_280] : memref<10000xi32, #tpu.memory_space<vmem>>[vector<16xi32>], vector<16xi32>,
      %and3A_282 = arith.constant 15 : i32
      %and3A_283 = vector.broadcast %and3A_282 : i32 to vector<16xi32>
      %and3A_284 = arith.andi %get3A_274, %and3A_283 : vector<16xi32>
      %mul3A_285 = arith.constant 8448 : i32
      %mul3A_286 = vector.broadcast %mul3A_285 : i32 to vector<16xi32>
      %mul3A_287 = arith.muli %and3A_284, %mul3A_286 : vector<16xi32>
      %mul3A_288 = arith.constant 256 : i32
      %mul3A_289 = vector.broadcast %mul3A_288 : i32 to vector<16xi32>
      %mul3A_290 = arith.muli %gather3A_281, %mul3A_289 : vector<16xi32>
      %add3A_291 = arith.addi %mul3A_287, %mul3A_290 : vector<16xi32>
      %add3A_292 = arith.addi %add3A_291, %gather3A_278 : vector<16xi32>
      %swap3A_293 = arith.index_cast %mul3A_272 : i32 to index
      %swap3A_294 = tpu.vector_load %arg8[%swap3A_293] {strides = array<i32>} : memref<10000xi32, #tpu.memory_space<vmem>>, vector<16xi32>,
      tpu.vector_store %arg8[%swap3A_293], %add3A_292 {strides = array<i32>} : memref<10000xi32, #tpu.memory_space<vmem>>, vector<16xi32>,
      %get3A_295 = arith.index_cast %mul3A_272 : i32 to index
      %get3A_296 = tpu.vector_load %arg12[%get3A_295] {strides = array<i32>} : memref<10000xf32, #tpu.memory_space<vmem>>, vector<16xf32>,
      %div3A_297 = arith.constant 1.000000e+00 : f32
      %div3A_298 = vector.broadcast %div3A_297 : f32 to vector<16xf32>
      %div3A_299 = arith.divf %div3A_298, %get3A_296 : vector<16xf32>
      %swap3A_300 = arith.index_cast %mul3A_272 : i32 to index
      %swap3A_301 = tpu.vector_load %arg12[%swap3A_300] {strides = array<i32>} : memref<10000xf32, #tpu.memory_space<vmem>>, vector<16xf32>,
      tpu.vector_store %arg12[%swap3A_300], %div3A_299 {strides = array<i32>} : memref<10000xf32, #tpu.memory_space<vmem>>, vector<16xf32>,
      %scan3A_302 = arith.constant 6 : i32
      %scan3A_303 = arith.addi %scan3A_105, %scan3A_302 : i32
      %mul3A_304 = arith.constant 16 : i32
      %mul3A_305 = arith.muli %scan3A_303, %mul3A_304 : i32
      %get3A_306 = arith.index_cast %mul3A_305 : i32 to index
      %get3A_307 = tpu.vector_load %arg8[%get3A_306] {strides = array<i32>} : memref<10000xi32, #tpu.memory_space<vmem>>, vector<16xi32>,
      %shift_right_arithmetic3A_308 = arith.constant 4 : i32
      %shift_right_arithmetic3A_309 = vector.broadcast %shift_right_arithmetic3A_308 : i32 to vector<16xi32>
      %shift_right_arithmetic3A_310 = arith.shrsi %get3A_307, %shift_right_arithmetic3A_309 : vector<16xi32>
      %gather3A_311 = tpu.vector_load_idx %arg14[%shift_right_arithmetic3A_310] : memref<10000xi32, #tpu.memory_space<vmem>>[vector<16xi32>], vector<16xi32>,
      %get3A_312 = arith.index_cast %mul3A_305 : i32 to index
      %get3A_313 = tpu.vector_load %arg10[%get3A_312] {strides = array<i32>} : memref<10000xi32, #tpu.memory_space<vmem>>, vector<16xi32>,
      %gather3A_314 = tpu.vector_load_idx %arg13[%get3A_313] : memref<10000xi32, #tpu.memory_space<vmem>>[vector<16xi32>], vector<16xi32>,
      %and3A_315 = arith.constant 15 : i32
      %and3A_316 = vector.broadcast %and3A_315 : i32 to vector<16xi32>
      %and3A_317 = arith.andi %get3A_307, %and3A_316 : vector<16xi32>
      %mul3A_318 = arith.constant 8448 : i32
      %mul3A_319 = vector.broadcast %mul3A_318 : i32 to vector<16xi32>
      %mul3A_320 = arith.muli %and3A_317, %mul3A_319 : vector<16xi32>
      %mul3A_321 = arith.constant 256 : i32
      %mul3A_322 = vector.broadcast %mul3A_321 : i32 to vector<16xi32>
      %mul3A_323 = arith.muli %gather3A_314, %mul3A_322 : vector<16xi32>
      %add3A_324 = arith.addi %mul3A_320, %mul3A_323 : vector<16xi32>
      %add3A_325 = arith.addi %add3A_324, %gather3A_311 : vector<16xi32>
      %swap3A_326 = arith.index_cast %mul3A_305 : i32 to index
      %swap3A_327 = tpu.vector_load %arg8[%swap3A_326] {strides = array<i32>} : memref<10000xi32, #tpu.memory_space<vmem>>, vector<16xi32>,
      tpu.vector_store %arg8[%swap3A_326], %add3A_325 {strides = array<i32>} : memref<10000xi32, #tpu.memory_space<vmem>>, vector<16xi32>,
      %get3A_328 = arith.index_cast %mul3A_305 : i32 to index
      %get3A_329 = tpu.vector_load %arg12[%get3A_328] {strides = array<i32>} : memref<10000xf32, #tpu.memory_space<vmem>>, vector<16xf32>,
      %div3A_330 = arith.constant 1.000000e+00 : f32
      %div3A_331 = vector.broadcast %div3A_330 : f32 to vector<16xf32>
      %div3A_332 = arith.divf %div3A_331, %get3A_329 : vector<16xf32>
      %swap3A_333 = arith.index_cast %mul3A_305 : i32 to index
      %swap3A_334 = tpu.vector_load %arg12[%swap3A_333] {strides = array<i32>} : memref<10000xf32, #tpu.memory_space<vmem>>, vector<16xf32>,
      tpu.vector_store %arg12[%swap3A_333], %div3A_332 {strides = array<i32>} : memref<10000xf32, #tpu.memory_space<vmem>>, vector<16xf32>,
      %scan3A_335 = arith.constant 7 : i32
      %scan3A_336 = arith.addi %scan3A_105, %scan3A_335 : i32
      %mul3A_337 = arith.constant 16 : i32
      %mul3A_338 = arith.muli %scan3A_336, %mul3A_337 : i32
      %get3A_339 = arith.index_cast %mul3A_338 : i32 to index
      %get3A_340 = tpu.vector_load %arg8[%get3A_339] {strides = array<i32>} : memref<10000xi32, #tpu.memory_space<vmem>>, vector<16xi32>,
      %shift_right_arithmetic3A_341 = arith.constant 4 : i32
      %shift_right_arithmetic3A_342 = vector.broadcast %shift_right_arithmetic3A_341 : i32 to vector<16xi32>
      %shift_right_arithmetic3A_343 = arith.shrsi %get3A_340, %shift_right_arithmetic3A_342 : vector<16xi32>
      %gather3A_344 = tpu.vector_load_idx %arg14[%shift_right_arithmetic3A_343] : memref<10000xi32, #tpu.memory_space<vmem>>[vector<16xi32>], vector<16xi32>,
      %get3A_345 = arith.index_cast %mul3A_338 : i32 to index
      %get3A_346 = tpu.vector_load %arg10[%get3A_345] {strides = array<i32>} : memref<10000xi32, #tpu.memory_space<vmem>>, vector<16xi32>,
      %gather3A_347 = tpu.vector_load_idx %arg13[%get3A_346] : memref<10000xi32, #tpu.memory_space<vmem>>[vector<16xi32>], vector<16xi32>,
      %and3A_348 = arith.constant 15 : i32
      %and3A_349 = vector.broadcast %and3A_348 : i32 to vector<16xi32>
      %and3A_350 = arith.andi %get3A_340, %and3A_349 : vector<16xi32>
      %mul3A_351 = arith.constant 8448 : i32
      %mul3A_352 = vector.broadcast %mul3A_351 : i32 to vector<16xi32>
      %mul3A_353 = arith.muli %and3A_350, %mul3A_352 : vector<16xi32>
      %mul3A_354 = arith.constant 256 : i32
      %mul3A_355 = vector.broadcast %mul3A_354 : i32 to vector<16xi32>
      %mul3A_356 = arith.muli %gather3A_347, %mul3A_355 : vector<16xi32>
      %add3A_357 = arith.addi %mul3A_353, %mul3A_356 : vector<16xi32>
      %add3A_358 = arith.addi %add3A_357, %gather3A_344 : vector<16xi32>
      %swap3A_359 = arith.index_cast %mul3A_338 : i32 to index
      %swap3A_360 = tpu.vector_load %arg8[%swap3A_359] {strides = array<i32>} : memref<10000xi32, #tpu.memory_space<vmem>>, vector<16xi32>,
      tpu.vector_store %arg8[%swap3A_359], %add3A_358 {strides = array<i32>} : memref<10000xi32, #tpu.memory_space<vmem>>, vector<16xi32>,
      %get3A_361 = arith.index_cast %mul3A_338 : i32 to index
      %get3A_362 = tpu.vector_load %arg12[%get3A_361] {strides = array<i32>} : memref<10000xf32, #tpu.memory_space<vmem>>, vector<16xf32>,
      %div3A_363 = arith.constant 1.000000e+00 : f32
      %div3A_364 = vector.broadcast %div3A_363 : f32 to vector<16xf32>
      %div3A_365 = arith.divf %div3A_364, %get3A_362 : vector<16xf32>
      %swap3A_366 = arith.index_cast %mul3A_338 : i32 to index
      %swap3A_367 = tpu.vector_load %arg12[%swap3A_366] {strides = array<i32>} : memref<10000xf32, #tpu.memory_space<vmem>>, vector<16xf32>,
      tpu.vector_store %arg12[%swap3A_366], %div3A_365 {strides = array<i32>} : memref<10000xf32, #tpu.memory_space<vmem>>, vector<16xf32>,
    }
    %scan3A_61 = arith.constant 624 : i32
    %scan3A_62 = arith.addi %scan3A_57, %scan3A_61 : i32
    %mul3A_63 = arith.constant 16 : i32
    %mul3A_64 = arith.muli %scan3A_62, %mul3A_63 : i32
    %get3A = arith.index_cast %mul3A_64 : i32 to index
    %get3A_65 = tpu.vector_load %arg8[%get3A] {strides = array<i32>} : memref<10000xi32, #tpu.memory_space<vmem>>, vector<16xi32>,
    %shift_right_arithmetic3A = arith.constant 4 : i32
    %shift_right_arithmetic3A_66 = vector.broadcast %shift_right_arithmetic3A : i32 to vector<16xi32>
    %shift_right_arithmetic3A_67 = arith.shrsi %get3A_65, %shift_right_arithmetic3A_66 : vector<16xi32>
    %gather3A = tpu.vector_load_idx %arg14[%shift_right_arithmetic3A_67] : memref<10000xi32, #tpu.memory_space<vmem>>[vector<16xi32>], vector<16xi32>,
    %get3A_68 = arith.index_cast %mul3A_64 : i32 to index
    %get3A_69 = tpu.vector_load %arg10[%get3A_68] {strides = array<i32>} : memref<10000xi32, #tpu.memory_space<vmem>>, vector<16xi32>,
    %gather3A_70 = tpu.vector_load_idx %arg13[%get3A_69] : memref<10000xi32, #tpu.memory_space<vmem>>[vector<16xi32>], vector<16xi32>,
    %and3A = arith.constant 15 : i32
    %and3A_71 = vector.broadcast %and3A : i32 to vector<16xi32>
    %and3A_72 = arith.andi %get3A_65, %and3A_71 : vector<16xi32>
    %mul3A_73 = arith.constant 8448 : i32
    %mul3A_74 = vector.broadcast %mul3A_73 : i32 to vector<16xi32>
    %mul3A_75 = arith.muli %and3A_72, %mul3A_74 : vector<16xi32>
    %mul3A_76 = arith.constant 256 : i32
    %mul3A_77 = vector.broadcast %mul3A_76 : i32 to vector<16xi32>
    %mul3A_78 = arith.muli %gather3A_70, %mul3A_77 : vector<16xi32>
    %add3A_79 = arith.addi %mul3A_75, %mul3A_78 : vector<16xi32>
    %add3A_80 = arith.addi %add3A_79, %gather3A : vector<16xi32>
    %swap3A_81 = arith.index_cast %mul3A_64 : i32 to index
    %swap3A_82 = tpu.vector_load %arg8[%swap3A_81] {strides = array<i32>} : memref<10000xi32, #tpu.memory_space<vmem>>, vector<16xi32>,
    tpu.vector_store %arg8[%swap3A_81], %add3A_80 {strides = array<i32>} : memref<10000xi32, #tpu.memory_space<vmem>>, vector<16xi32>,
    %get3A_83 = arith.index_cast %mul3A_64 : i32 to index
    %get3A_84 = tpu.vector_load %arg12[%get3A_83] {strides = array<i32>} : memref<10000xf32, #tpu.memory_space<vmem>>, vector<16xf32>,
    %div3A = arith.constant 1.000000e+00 : f32
    %div3A_85 = vector.broadcast %div3A : f32 to vector<16xf32>
    %div3A_86 = arith.divf %div3A_85, %get3A_84 : vector<16xf32>
    %swap3A_87 = arith.index_cast %mul3A_64 : i32 to index
    %swap3A_88 = tpu.vector_load %arg12[%swap3A_87] {strides = array<i32>} : memref<10000xf32, #tpu.memory_space<vmem>>, vector<16xf32>,
    tpu.vector_store %arg12[%swap3A_87], %div3A_86 {strides = array<i32>} : memref<10000xf32, #tpu.memory_space<vmem>>, vector<16xf32>,
    %scan3A_89 = arith.constant 625 : i32
    "tpu.region"() ({
      %run_scoped3A = tpu.sem_alloc : memref<!tpu.dma_semaphore, #tpu.memory_space<semaphore_mem>>
      %dma_start3A_105 = arith.constant 0 : i32
      %dma_start3A_106 = tpu.memref_slice %arg23[%dma_start3A_105] : memref<135168xf32, #tpu.memory_space<vmem_shared>> -> memref<135168xf32, #tpu.memory_space<vmem_shared>>
      tpu.enqueue_indirect_dma source(%arg12 : memref<10000xf32, #tpu.memory_space<vmem>>) target(%dma_start3A_106 : memref<135168xf32, #tpu.memory_space<vmem_shared>>) offsets(%arg8 : memref<10000xi32, #tpu.memory_space<vmem>>) semaphore(%run_scoped3A : memref<!tpu.dma_semaphore, #tpu.memory_space<semaphore_mem>>) {add = true}
      %dma_wait3A_107 = arith.constant 0 : i32
      %dma_wait3A_108 = tpu.memref_slice %arg23[%dma_wait3A_107] : memref<135168xf32, #tpu.memory_space<vmem_shared>> -> memref<135168xf32, #tpu.memory_space<vmem_shared>>
      tpu.wait_indirect_dma semaphore(%run_scoped3A : memref<!tpu.dma_semaphore, #tpu.memory_space<semaphore_mem>>) src(%arg12 : memref<10000xf32, #tpu.memory_space<vmem>>) dst(%dma_wait3A_108 : memref<135168xf32, #tpu.memory_space<vmem_shared>>)
      tpu.yield
    }) : () -> ()
    %barrier3A_90 = arith.constant 0 : index
    tpu.barrier barrier_id(%barrier3A_90)
    %mul3A_91 = arith.constant 8448 : i32
    %mul3A_92 = arith.muli %arg1, %mul3A_91 : i32
    "tpu.region"() ({
      %run_scoped3A = tpu.sem_alloc : memref<!tpu.dma_semaphore, #tpu.memory_space<semaphore_mem>>
      %dma_start3A_105 = arith.constant 0 : i32
      %dma_start3A_106 = tpu.memref_slice %arg12[%dma_start3A_105] : memref<10000xf32, #tpu.memory_space<vmem>> -> memref<8448xf32, #tpu.memory_space<vmem>>
      %dma_start3A_107 = tpu.memref_slice %arg23[%mul3A_92] : memref<135168xf32, #tpu.memory_space<vmem_shared>> -> memref<8448xf32, #tpu.memory_space<vmem_shared>>
      %dma_start3A_108 = arith.constant 0 : i32
      %dma_start3A_109 = tpu.memref_slice %arg12[%dma_start3A_108] : memref<10000xf32, #tpu.memory_space<vmem>> -> memref<8448xf32, #tpu.memory_space<vmem>>
      %dma_start3A_110 = tpu.memref_slice %arg23[%mul3A_92] : memref<135168xf32, #tpu.memory_space<vmem_shared>> -> memref<8448xf32, #tpu.memory_space<vmem_shared>>
      tpu.enqueue_dma source(%dma_start3A_110 : memref<8448xf32, #tpu.memory_space<vmem_shared>>) target(%dma_start3A_109 : memref<8448xf32, #tpu.memory_space<vmem>>) target_semaphore(%run_scoped3A : memref<!tpu.dma_semaphore, #tpu.memory_space<semaphore_mem>>)
      %dma_wait3A_111 = arith.constant 0 : i32
      %dma_wait3A_112 = tpu.memref_slice %arg12[%dma_wait3A_111] : memref<10000xf32, #tpu.memory_space<vmem>> -> memref<8448xf32, #tpu.memory_space<vmem>>
      %dma_wait3A_113 = tpu.memref_slice %arg23[%mul3A_92] : memref<135168xf32, #tpu.memory_space<vmem_shared>> -> memref<8448xf32, #tpu.memory_space<vmem_shared>>
      %dma_wait3A_114 = arith.constant 0 : i32
      %dma_wait3A_115 = tpu.memref_slice %arg12[%dma_wait3A_114] : memref<10000xf32, #tpu.memory_space<vmem>> -> memref<8448xf32, #tpu.memory_space<vmem>>
      %dma_wait3A_116 = tpu.memref_slice %arg23[%mul3A_92] : memref<135168xf32, #tpu.memory_space<vmem_shared>> -> memref<8448xf32, #tpu.memory_space<vmem_shared>>
      tpu.wait_dma2 semaphore(%run_scoped3A : memref<!tpu.dma_semaphore, #tpu.memory_space<semaphore_mem>>) src(%dma_wait3A_116 : memref<8448xf32, #tpu.memory_space<vmem_shared>>) dst(%dma_wait3A_115 : memref<8448xf32, #tpu.memory_space<vmem>>)
      tpu.yield
    }) : () -> ()
    %mul3A_93 = arith.constant 135168 : i32
    %mul3A_94 = arith.muli %arg0, %mul3A_93 : i32
    %mul3A_95 = arith.constant 8448 : i32
    %mul3A_96 = arith.muli %arg1, %mul3A_95 : i32
    %add3A_97 = arith.addi %mul3A_94, %mul3A_96 : i32
    "tpu.region"() ({
      %run_scoped3A = tpu.sem_alloc : memref<!tpu.dma_semaphore, #tpu.memory_space<semaphore_mem>>
      %dma_start3A_105 = arith.constant 0 : i32
      %dma_start3A_106 = tpu.memref_slice %arg12[%dma_start3A_105] : memref<10000xf32, #tpu.memory_space<vmem>> -> memref<8448xf32, #tpu.memory_space<vmem>>
      %dma_start3A_107 = tpu.memref_slice %arg6[%add3A_97] : memref<270336xf32, #tpu.memory_space<hbm>> -> memref<8448xf32, #tpu.memory_space<hbm>>
      %dma_start3A_108 = tpu.memref_slice %arg6[%add3A_97] : memref<270336xf32, #tpu.memory_space<hbm>> -> memref<8448xf32, #tpu.memory_space<hbm>>
      %dma_start3A_109 = arith.constant 0 : i32
      %dma_start3A_110 = tpu.memref_slice %arg12[%dma_start3A_109] : memref<10000xf32, #tpu.memory_space<vmem>> -> memref<8448xf32, #tpu.memory_space<vmem>>
      tpu.enqueue_dma source(%dma_start3A_110 : memref<8448xf32, #tpu.memory_space<vmem>>) target(%dma_start3A_108 : memref<8448xf32, #tpu.memory_space<hbm>>) target_semaphore(%run_scoped3A : memref<!tpu.dma_semaphore, #tpu.memory_space<semaphore_mem>>)
      %dma_wait3A_111 = arith.constant 0 : i32
      %dma_wait3A_112 = tpu.memref_slice %arg12[%dma_wait3A_111] : memref<10000xf32, #tpu.memory_space<vmem>> -> memref<8448xf32, #tpu.memory_space<vmem>>
      %dma_wait3A_113 = tpu.memref_slice %arg6[%add3A_97] : memref<270336xf32, #tpu.memory_space<hbm>> -> memref<8448xf32, #tpu.memory_space<hbm>>
      %dma_wait3A_114 = tpu.memref_slice %arg6[%add3A_97] : memref<270336xf32, #tpu.memory_space<hbm>> -> memref<8448xf32, #tpu.memory_space<hbm>>
      %dma_wait3A_115 = arith.constant 0 : i32
      %dma_wait3A_116 = tpu.memref_slice %arg12[%dma_wait3A_115] : memref<10000xf32, #tpu.memory_space<vmem>> -> memref<8448xf32, #tpu.memory_space<vmem>>
      tpu.wait_dma2 semaphore(%run_scoped3A : memref<!tpu.dma_semaphore, #tpu.memory_space<semaphore_mem>>) src(%dma_wait3A_116 : memref<8448xf32, #tpu.memory_space<vmem>>) dst(%dma_wait3A_114 : memref<8448xf32, #tpu.memory_space<hbm>>)
      tpu.yield
    }) : () -> ()
    %mul3A_98 = arith.constant 528 : i32
    %mul3A_99 = arith.muli %arg1, %mul3A_98 : i32
    "tpu.region"() ({
      %run_scoped3A = tpu.sem_alloc : memref<!tpu.dma_semaphore, #tpu.memory_space<semaphore_mem>>
      %dma_start3A_105 = arith.constant 0 : i32
      %dma_start3A_106 = tpu.memref_slice %arg11[%dma_start3A_105] : memref<10000xf32, #tpu.memory_space<vmem>> -> memref<528xf32, #tpu.memory_space<vmem>>
      %dma_start3A_107 = tpu.memref_slice %arg24[%mul3A_99] : memref<8448xf32, #tpu.memory_space<vmem_shared>> -> memref<528xf32, #tpu.memory_space<vmem_shared>>
      %dma_start3A_108 = arith.constant 0 : i32
      %dma_start3A_109 = tpu.memref_slice %arg11[%dma_start3A_108] : memref<10000xf32, #tpu.memory_space<vmem>> -> memref<528xf32, #tpu.memory_space<vmem>>
      %dma_start3A_110 = tpu.memref_slice %arg24[%mul3A_99] : memref<8448xf32, #tpu.memory_space<vmem_shared>> -> memref<528xf32, #tpu.memory_space<vmem_shared>>
      tpu.enqueue_dma source(%dma_start3A_110 : memref<528xf32, #tpu.memory_space<vmem_shared>>) target(%dma_start3A_109 : memref<528xf32, #tpu.memory_space<vmem>>) target_semaphore(%run_scoped3A : memref<!tpu.dma_semaphore, #tpu.memory_space<semaphore_mem>>)
      %dma_wait3A_111 = arith.constant 0 : i32
      %dma_wait3A_112 = tpu.memref_slice %arg11[%dma_wait3A_111] : memref<10000xf32, #tpu.memory_space<vmem>> -> memref<528xf32, #tpu.memory_space<vmem>>
      %dma_wait3A_113 = tpu.memref_slice %arg24[%mul3A_99] : memref<8448xf32, #tpu.memory_space<vmem_shared>> -> memref<528xf32, #tpu.memory_space<vmem_shared>>
      %dma_wait3A_114 = arith.constant 0 : i32
      %dma_wait3A_115 = tpu.memref_slice %arg11[%dma_wait3A_114] : memref<10000xf32, #tpu.memory_space<vmem>> -> memref<528xf32, #tpu.memory_space<vmem>>
      %dma_wait3A_116 = tpu.memref_slice %arg24[%mul3A_99] : memref<8448xf32, #tpu.memory_space<vmem_shared>> -> memref<528xf32, #tpu.memory_space<vmem_shared>>
      tpu.wait_dma2 semaphore(%run_scoped3A : memref<!tpu.dma_semaphore, #tpu.memory_space<semaphore_mem>>) src(%dma_wait3A_116 : memref<528xf32, #tpu.memory_space<vmem_shared>>) dst(%dma_wait3A_115 : memref<528xf32, #tpu.memory_space<vmem>>)
      tpu.yield
    }) : () -> ()
    %mul3A_100 = arith.constant 8448 : i32
    %mul3A_101 = arith.muli %arg0, %mul3A_100 : i32
    %mul3A_102 = arith.constant 528 : i32
    %mul3A_103 = arith.muli %arg1, %mul3A_102 : i32
    %add3A_104 = arith.addi %mul3A_101, %mul3A_103 : i32
    "tpu.region"() ({
      %run_scoped3A = tpu.sem_alloc : memref<!tpu.dma_semaphore, #tpu.memory_space<semaphore_mem>>
      %dma_start3A_105 = arith.constant 0 : i32
      %dma_start3A_106 = tpu.memref_slice %arg11[%dma_start3A_105] : memref<10000xf32, #tpu.memory_space<vmem>> -> memref<528xf32, #tpu.memory_space<vmem>>
      %dma_start3A_107 = tpu.memref_slice %arg7[%add3A_104] : memref<16896xf32, #tpu.memory_space<hbm>> -> memref<528xf32, #tpu.memory_space<hbm>>
      %dma_start3A_108 = tpu.memref_slice %arg7[%add3A_104] : memref<16896xf32, #tpu.memory_space<hbm>> -> memref<528xf32, #tpu.memory_space<hbm>>
      %dma_start3A_109 = arith.constant 0 : i32
      %dma_start3A_110 = tpu.memref_slice %arg11[%dma_start3A_109] : memref<10000xf32, #tpu.memory_space<vmem>> -> memref<528xf32, #tpu.memory_space<vmem>>
      tpu.enqueue_dma source(%dma_start3A_110 : memref<528xf32, #tpu.memory_space<vmem>>) target(%dma_start3A_108 : memref<528xf32, #tpu.memory_space<hbm>>) target_semaphore(%run_scoped3A : memref<!tpu.dma_semaphore, #tpu.memory_space<semaphore_mem>>)
      %dma_wait3A_111 = arith.constant 0 : i32
      %dma_wait3A_112 = tpu.memref_slice %arg11[%dma_wait3A_111] : memref<10000xf32, #tpu.memory_space<vmem>> -> memref<528xf32, #tpu.memory_space<vmem>>
      %dma_wait3A_113 = tpu.memref_slice %arg7[%add3A_104] : memref<16896xf32, #tpu.memory_space<hbm>> -> memref<528xf32, #tpu.memory_space<hbm>>
      %dma_wait3A_114 = tpu.memref_slice %arg7[%add3A_104] : memref<16896xf32, #tpu.memory_space<hbm>> -> memref<528xf32, #tpu.memory_space<hbm>>
      %dma_wait3A_115 = arith.constant 0 : i32
      %dma_wait3A_116 = tpu.memref_slice %arg11[%dma_wait3A_115] : memref<10000xf32, #tpu.memory_space<vmem>> -> memref<528xf32, #tpu.memory_space<vmem>>
      tpu.wait_dma2 semaphore(%run_scoped3A : memref<!tpu.dma_semaphore, #tpu.memory_space<semaphore_mem>>) src(%dma_wait3A_116 : memref<528xf32, #tpu.memory_space<vmem>>) dst(%dma_wait3A_114 : memref<528xf32, #tpu.memory_space<hbm>>)
      tpu.yield
    }) : () -> ()
    return
  }
}

module attributes {stable_mosaic.version = 14 : i64} {
  func.func @_tc_body(%arg0: memref<270336xf32, #tpu.memory_space<vmem>>, %arg1: memref<16896xf32, #tpu.memory_space<vmem>>, %arg2: memref<33x128xf32, #tpu.memory_space<vmem>>, %arg3: memref<16x128x64xf32, #tpu.memory_space<vmem>>, %arg4: memref<128x64xf32, #tpu.memory_space<vmem>>, %arg5: memref<64x1xf32, #tpu.memory_space<vmem>>, %arg6: memref<256x64xf32, #tpu.memory_space<vmem>>) attributes {dimension_semantics = [], scalar_prefetch = 0 : i64, scratch_operands = 0 : i64, tpu.core_type = #tpu.core_type<tc>} {
    %get3A = arith.constant 0 : index
    %get3A_0 = arith.constant 0 : index
    %get3A_1 = vector.load %arg2[%get3A, %get3A_0] : memref<33x128xf32, #tpu.memory_space<vmem>>, vector<33x128xf32>
    %get3A_2 = arith.constant 0 : index
    %get3A_3 = vector.load %arg1[%get3A_2] : memref<16896xf32, #tpu.memory_space<vmem>>, vector<8448xf32>
    %get3A_4 = arith.constant 8448 : index
    %get3A_5 = vector.load %arg1[%get3A_4] : memref<16896xf32, #tpu.memory_space<vmem>>, vector<8448xf32>
    %add3A = arith.addf %get3A_3, %get3A_5 : vector<8448xf32>
    %reshape3A = vector.shape_cast %add3A : vector<8448xf32> to vector<33x256xf32>
    %broadcast_in_dim3A = arith.constant 0.000000e+00 : f32
    %broadcast_in_dim3A_6 = vector.broadcast %broadcast_in_dim3A : f32 to vector<64x256xf32>
    %get3A_7 = arith.constant 0 : index
    %get3A_8 = arith.constant 0 : index
    %get3A_9 = arith.constant 0 : index
    %get3A_10 = vector.load %arg3[%get3A_7, %get3A_8, %get3A_9] : memref<16x128x64xf32, #tpu.memory_space<vmem>>, vector<1x128x64xf32>
    %get3A_11 = vector.shape_cast %get3A_10 : vector<1x128x64xf32> to vector<128x64xf32>
    %dot_general3A = arith.constant dense<0.000000e+00> : vector<64x33xf32>
    %dot_general3A_12 = tpu.matmul %get3A_11, %get3A_1, %dot_general3A {dimension_numbers = #tpu.dot_dimension_numbers<[0], [1], [1], [0], [0, 1, 1, 0], [], []>, precision = #tpu.contract_precision<fp32>, transpose_lhs_hint = false} : vector<128x64xf32>, vector<33x128xf32>, vector<64x33xf32> -> vector<64x33xf32>
    %get3A_13 = arith.constant 0 : index
    %get3A_14 = vector.load %arg0[%get3A_13] : memref<270336xf32, #tpu.memory_space<vmem>>, vector<8448xf32>
    %get3A_15 = arith.constant 135168 : index
    %get3A_16 = vector.load %arg0[%get3A_15] : memref<270336xf32, #tpu.memory_space<vmem>>, vector<8448xf32>
    %add3A_17 = arith.addf %get3A_14, %get3A_16 : vector<8448xf32>
    %reshape3A_18 = vector.shape_cast %add3A_17 : vector<8448xf32> to vector<33x256xf32>
    %dot_general3A_19 = arith.constant dense<0.000000e+00> : vector<64x256xf32>
    %dot_general3A_20 = tpu.matmul %dot_general3A_12, %reshape3A_18, %dot_general3A_19 {dimension_numbers = #tpu.dot_dimension_numbers<[1], [0], [0], [1], [0, 0, 1, 1], [], []>, precision = #tpu.contract_precision<fp32>, transpose_lhs_hint = false} : vector<64x33xf32>, vector<33x256xf32>, vector<64x256xf32> -> vector<64x256xf32>
    %add3A_21 = arith.addf %broadcast_in_dim3A_6, %dot_general3A_20 : vector<64x256xf32>
    %get3A_22 = arith.constant 1 : index
    %get3A_23 = arith.constant 0 : index
    %get3A_24 = arith.constant 0 : index
    %get3A_25 = vector.load %arg3[%get3A_22, %get3A_23, %get3A_24] : memref<16x128x64xf32, #tpu.memory_space<vmem>>, vector<1x128x64xf32>
    %get3A_26 = vector.shape_cast %get3A_25 : vector<1x128x64xf32> to vector<128x64xf32>
    %dot_general3A_27 = arith.constant dense<0.000000e+00> : vector<64x33xf32>
    %dot_general3A_28 = tpu.matmul %get3A_26, %get3A_1, %dot_general3A_27 {dimension_numbers = #tpu.dot_dimension_numbers<[0], [1], [1], [0], [0, 1, 1, 0], [], []>, precision = #tpu.contract_precision<fp32>, transpose_lhs_hint = false} : vector<128x64xf32>, vector<33x128xf32>, vector<64x33xf32> -> vector<64x33xf32>
    %get3A_29 = arith.constant 8448 : index
    %get3A_30 = vector.load %arg0[%get3A_29] : memref<270336xf32, #tpu.memory_space<vmem>>, vector<8448xf32>
    %get3A_31 = arith.constant 143616 : index
    %get3A_32 = vector.load %arg0[%get3A_31] : memref<270336xf32, #tpu.memory_space<vmem>>, vector<8448xf32>
    %add3A_33 = arith.addf %get3A_30, %get3A_32 : vector<8448xf32>
    %reshape3A_34 = vector.shape_cast %add3A_33 : vector<8448xf32> to vector<33x256xf32>
    %dot_general3A_35 = arith.constant dense<0.000000e+00> : vector<64x256xf32>
    %dot_general3A_36 = tpu.matmul %dot_general3A_28, %reshape3A_34, %dot_general3A_35 {dimension_numbers = #tpu.dot_dimension_numbers<[1], [0], [0], [1], [0, 0, 1, 1], [], []>, precision = #tpu.contract_precision<fp32>, transpose_lhs_hint = false} : vector<64x33xf32>, vector<33x256xf32>, vector<64x256xf32> -> vector<64x256xf32>
    %add3A_37 = arith.addf %add3A_21, %dot_general3A_36 : vector<64x256xf32>
    %get3A_38 = arith.constant 2 : index
    %get3A_39 = arith.constant 0 : index
    %get3A_40 = arith.constant 0 : index
    %get3A_41 = vector.load %arg3[%get3A_38, %get3A_39, %get3A_40] : memref<16x128x64xf32, #tpu.memory_space<vmem>>, vector<1x128x64xf32>
    %get3A_42 = vector.shape_cast %get3A_41 : vector<1x128x64xf32> to vector<128x64xf32>
    %dot_general3A_43 = arith.constant dense<0.000000e+00> : vector<64x33xf32>
    %dot_general3A_44 = tpu.matmul %get3A_42, %get3A_1, %dot_general3A_43 {dimension_numbers = #tpu.dot_dimension_numbers<[0], [1], [1], [0], [0, 1, 1, 0], [], []>, precision = #tpu.contract_precision<fp32>, transpose_lhs_hint = false} : vector<128x64xf32>, vector<33x128xf32>, vector<64x33xf32> -> vector<64x33xf32>
    %get3A_45 = arith.constant 16896 : index
    %get3A_46 = vector.load %arg0[%get3A_45] : memref<270336xf32, #tpu.memory_space<vmem>>, vector<8448xf32>
    %get3A_47 = arith.constant 152064 : index
    %get3A_48 = vector.load %arg0[%get3A_47] : memref<270336xf32, #tpu.memory_space<vmem>>, vector<8448xf32>
    %add3A_49 = arith.addf %get3A_46, %get3A_48 : vector<8448xf32>
    %reshape3A_50 = vector.shape_cast %add3A_49 : vector<8448xf32> to vector<33x256xf32>
    %dot_general3A_51 = arith.constant dense<0.000000e+00> : vector<64x256xf32>
    %dot_general3A_52 = tpu.matmul %dot_general3A_44, %reshape3A_50, %dot_general3A_51 {dimension_numbers = #tpu.dot_dimension_numbers<[1], [0], [0], [1], [0, 0, 1, 1], [], []>, precision = #tpu.contract_precision<fp32>, transpose_lhs_hint = false} : vector<64x33xf32>, vector<33x256xf32>, vector<64x256xf32> -> vector<64x256xf32>
    %add3A_53 = arith.addf %add3A_37, %dot_general3A_52 : vector<64x256xf32>
    %get3A_54 = arith.constant 3 : index
    %get3A_55 = arith.constant 0 : index
    %get3A_56 = arith.constant 0 : index
    %get3A_57 = vector.load %arg3[%get3A_54, %get3A_55, %get3A_56] : memref<16x128x64xf32, #tpu.memory_space<vmem>>, vector<1x128x64xf32>
    %get3A_58 = vector.shape_cast %get3A_57 : vector<1x128x64xf32> to vector<128x64xf32>
    %dot_general3A_59 = arith.constant dense<0.000000e+00> : vector<64x33xf32>
    %dot_general3A_60 = tpu.matmul %get3A_58, %get3A_1, %dot_general3A_59 {dimension_numbers = #tpu.dot_dimension_numbers<[0], [1], [1], [0], [0, 1, 1, 0], [], []>, precision = #tpu.contract_precision<fp32>, transpose_lhs_hint = false} : vector<128x64xf32>, vector<33x128xf32>, vector<64x33xf32> -> vector<64x33xf32>
    %get3A_61 = arith.constant 25344 : index
    %get3A_62 = vector.load %arg0[%get3A_61] : memref<270336xf32, #tpu.memory_space<vmem>>, vector<8448xf32>
    %get3A_63 = arith.constant 160512 : index
    %get3A_64 = vector.load %arg0[%get3A_63] : memref<270336xf32, #tpu.memory_space<vmem>>, vector<8448xf32>
    %add3A_65 = arith.addf %get3A_62, %get3A_64 : vector<8448xf32>
    %reshape3A_66 = vector.shape_cast %add3A_65 : vector<8448xf32> to vector<33x256xf32>
    %dot_general3A_67 = arith.constant dense<0.000000e+00> : vector<64x256xf32>
    %dot_general3A_68 = tpu.matmul %dot_general3A_60, %reshape3A_66, %dot_general3A_67 {dimension_numbers = #tpu.dot_dimension_numbers<[1], [0], [0], [1], [0, 0, 1, 1], [], []>, precision = #tpu.contract_precision<fp32>, transpose_lhs_hint = false} : vector<64x33xf32>, vector<33x256xf32>, vector<64x256xf32> -> vector<64x256xf32>
    %add3A_69 = arith.addf %add3A_53, %dot_general3A_68 : vector<64x256xf32>
    %get3A_70 = arith.constant 4 : index
    %get3A_71 = arith.constant 0 : index
    %get3A_72 = arith.constant 0 : index
    %get3A_73 = vector.load %arg3[%get3A_70, %get3A_71, %get3A_72] : memref<16x128x64xf32, #tpu.memory_space<vmem>>, vector<1x128x64xf32>
    %get3A_74 = vector.shape_cast %get3A_73 : vector<1x128x64xf32> to vector<128x64xf32>
    %dot_general3A_75 = arith.constant dense<0.000000e+00> : vector<64x33xf32>
    %dot_general3A_76 = tpu.matmul %get3A_74, %get3A_1, %dot_general3A_75 {dimension_numbers = #tpu.dot_dimension_numbers<[0], [1], [1], [0], [0, 1, 1, 0], [], []>, precision = #tpu.contract_precision<fp32>, transpose_lhs_hint = false} : vector<128x64xf32>, vector<33x128xf32>, vector<64x33xf32> -> vector<64x33xf32>
    %get3A_77 = arith.constant 33792 : index
    %get3A_78 = vector.load %arg0[%get3A_77] : memref<270336xf32, #tpu.memory_space<vmem>>, vector<8448xf32>
    %get3A_79 = arith.constant 168960 : index
    %get3A_80 = vector.load %arg0[%get3A_79] : memref<270336xf32, #tpu.memory_space<vmem>>, vector<8448xf32>
    %add3A_81 = arith.addf %get3A_78, %get3A_80 : vector<8448xf32>
    %reshape3A_82 = vector.shape_cast %add3A_81 : vector<8448xf32> to vector<33x256xf32>
    %dot_general3A_83 = arith.constant dense<0.000000e+00> : vector<64x256xf32>
    %dot_general3A_84 = tpu.matmul %dot_general3A_76, %reshape3A_82, %dot_general3A_83 {dimension_numbers = #tpu.dot_dimension_numbers<[1], [0], [0], [1], [0, 0, 1, 1], [], []>, precision = #tpu.contract_precision<fp32>, transpose_lhs_hint = false} : vector<64x33xf32>, vector<33x256xf32>, vector<64x256xf32> -> vector<64x256xf32>
    %add3A_85 = arith.addf %add3A_69, %dot_general3A_84 : vector<64x256xf32>
    %get3A_86 = arith.constant 5 : index
    %get3A_87 = arith.constant 0 : index
    %get3A_88 = arith.constant 0 : index
    %get3A_89 = vector.load %arg3[%get3A_86, %get3A_87, %get3A_88] : memref<16x128x64xf32, #tpu.memory_space<vmem>>, vector<1x128x64xf32>
    %get3A_90 = vector.shape_cast %get3A_89 : vector<1x128x64xf32> to vector<128x64xf32>
    %dot_general3A_91 = arith.constant dense<0.000000e+00> : vector<64x33xf32>
    %dot_general3A_92 = tpu.matmul %get3A_90, %get3A_1, %dot_general3A_91 {dimension_numbers = #tpu.dot_dimension_numbers<[0], [1], [1], [0], [0, 1, 1, 0], [], []>, precision = #tpu.contract_precision<fp32>, transpose_lhs_hint = false} : vector<128x64xf32>, vector<33x128xf32>, vector<64x33xf32> -> vector<64x33xf32>
    %get3A_93 = arith.constant 42240 : index
    %get3A_94 = vector.load %arg0[%get3A_93] : memref<270336xf32, #tpu.memory_space<vmem>>, vector<8448xf32>
    %get3A_95 = arith.constant 177408 : index
    %get3A_96 = vector.load %arg0[%get3A_95] : memref<270336xf32, #tpu.memory_space<vmem>>, vector<8448xf32>
    %add3A_97 = arith.addf %get3A_94, %get3A_96 : vector<8448xf32>
    %reshape3A_98 = vector.shape_cast %add3A_97 : vector<8448xf32> to vector<33x256xf32>
    %dot_general3A_99 = arith.constant dense<0.000000e+00> : vector<64x256xf32>
    %dot_general3A_100 = tpu.matmul %dot_general3A_92, %reshape3A_98, %dot_general3A_99 {dimension_numbers = #tpu.dot_dimension_numbers<[1], [0], [0], [1], [0, 0, 1, 1], [], []>, precision = #tpu.contract_precision<fp32>, transpose_lhs_hint = false} : vector<64x33xf32>, vector<33x256xf32>, vector<64x256xf32> -> vector<64x256xf32>
    %add3A_101 = arith.addf %add3A_85, %dot_general3A_100 : vector<64x256xf32>
    %get3A_102 = arith.constant 6 : index
    %get3A_103 = arith.constant 0 : index
    %get3A_104 = arith.constant 0 : index
    %get3A_105 = vector.load %arg3[%get3A_102, %get3A_103, %get3A_104] : memref<16x128x64xf32, #tpu.memory_space<vmem>>, vector<1x128x64xf32>
    %get3A_106 = vector.shape_cast %get3A_105 : vector<1x128x64xf32> to vector<128x64xf32>
    %dot_general3A_107 = arith.constant dense<0.000000e+00> : vector<64x33xf32>
    %dot_general3A_108 = tpu.matmul %get3A_106, %get3A_1, %dot_general3A_107 {dimension_numbers = #tpu.dot_dimension_numbers<[0], [1], [1], [0], [0, 1, 1, 0], [], []>, precision = #tpu.contract_precision<fp32>, transpose_lhs_hint = false} : vector<128x64xf32>, vector<33x128xf32>, vector<64x33xf32> -> vector<64x33xf32>
    %get3A_109 = arith.constant 50688 : index
    %get3A_110 = vector.load %arg0[%get3A_109] : memref<270336xf32, #tpu.memory_space<vmem>>, vector<8448xf32>
    %get3A_111 = arith.constant 185856 : index
    %get3A_112 = vector.load %arg0[%get3A_111] : memref<270336xf32, #tpu.memory_space<vmem>>, vector<8448xf32>
    %add3A_113 = arith.addf %get3A_110, %get3A_112 : vector<8448xf32>
    %reshape3A_114 = vector.shape_cast %add3A_113 : vector<8448xf32> to vector<33x256xf32>
    %dot_general3A_115 = arith.constant dense<0.000000e+00> : vector<64x256xf32>
    %dot_general3A_116 = tpu.matmul %dot_general3A_108, %reshape3A_114, %dot_general3A_115 {dimension_numbers = #tpu.dot_dimension_numbers<[1], [0], [0], [1], [0, 0, 1, 1], [], []>, precision = #tpu.contract_precision<fp32>, transpose_lhs_hint = false} : vector<64x33xf32>, vector<33x256xf32>, vector<64x256xf32> -> vector<64x256xf32>
    %add3A_117 = arith.addf %add3A_101, %dot_general3A_116 : vector<64x256xf32>
    %get3A_118 = arith.constant 7 : index
    %get3A_119 = arith.constant 0 : index
    %get3A_120 = arith.constant 0 : index
    %get3A_121 = vector.load %arg3[%get3A_118, %get3A_119, %get3A_120] : memref<16x128x64xf32, #tpu.memory_space<vmem>>, vector<1x128x64xf32>
    %get3A_122 = vector.shape_cast %get3A_121 : vector<1x128x64xf32> to vector<128x64xf32>
    %dot_general3A_123 = arith.constant dense<0.000000e+00> : vector<64x33xf32>
    %dot_general3A_124 = tpu.matmul %get3A_122, %get3A_1, %dot_general3A_123 {dimension_numbers = #tpu.dot_dimension_numbers<[0], [1], [1], [0], [0, 1, 1, 0], [], []>, precision = #tpu.contract_precision<fp32>, transpose_lhs_hint = false} : vector<128x64xf32>, vector<33x128xf32>, vector<64x33xf32> -> vector<64x33xf32>
    %get3A_125 = arith.constant 59136 : index
    %get3A_126 = vector.load %arg0[%get3A_125] : memref<270336xf32, #tpu.memory_space<vmem>>, vector<8448xf32>
    %get3A_127 = arith.constant 194304 : index
    %get3A_128 = vector.load %arg0[%get3A_127] : memref<270336xf32, #tpu.memory_space<vmem>>, vector<8448xf32>
    %add3A_129 = arith.addf %get3A_126, %get3A_128 : vector<8448xf32>
    %reshape3A_130 = vector.shape_cast %add3A_129 : vector<8448xf32> to vector<33x256xf32>
    %dot_general3A_131 = arith.constant dense<0.000000e+00> : vector<64x256xf32>
    %dot_general3A_132 = tpu.matmul %dot_general3A_124, %reshape3A_130, %dot_general3A_131 {dimension_numbers = #tpu.dot_dimension_numbers<[1], [0], [0], [1], [0, 0, 1, 1], [], []>, precision = #tpu.contract_precision<fp32>, transpose_lhs_hint = false} : vector<64x33xf32>, vector<33x256xf32>, vector<64x256xf32> -> vector<64x256xf32>
    %add3A_133 = arith.addf %add3A_117, %dot_general3A_132 : vector<64x256xf32>
    %get3A_134 = arith.constant 8 : index
    %get3A_135 = arith.constant 0 : index
    %get3A_136 = arith.constant 0 : index
    %get3A_137 = vector.load %arg3[%get3A_134, %get3A_135, %get3A_136] : memref<16x128x64xf32, #tpu.memory_space<vmem>>, vector<1x128x64xf32>
    %get3A_138 = vector.shape_cast %get3A_137 : vector<1x128x64xf32> to vector<128x64xf32>
    %dot_general3A_139 = arith.constant dense<0.000000e+00> : vector<64x33xf32>
    %dot_general3A_140 = tpu.matmul %get3A_138, %get3A_1, %dot_general3A_139 {dimension_numbers = #tpu.dot_dimension_numbers<[0], [1], [1], [0], [0, 1, 1, 0], [], []>, precision = #tpu.contract_precision<fp32>, transpose_lhs_hint = false} : vector<128x64xf32>, vector<33x128xf32>, vector<64x33xf32> -> vector<64x33xf32>
    %get3A_141 = arith.constant 67584 : index
    %get3A_142 = vector.load %arg0[%get3A_141] : memref<270336xf32, #tpu.memory_space<vmem>>, vector<8448xf32>
    %get3A_143 = arith.constant 202752 : index
    %get3A_144 = vector.load %arg0[%get3A_143] : memref<270336xf32, #tpu.memory_space<vmem>>, vector<8448xf32>
    %add3A_145 = arith.addf %get3A_142, %get3A_144 : vector<8448xf32>
    %reshape3A_146 = vector.shape_cast %add3A_145 : vector<8448xf32> to vector<33x256xf32>
    %dot_general3A_147 = arith.constant dense<0.000000e+00> : vector<64x256xf32>
    %dot_general3A_148 = tpu.matmul %dot_general3A_140, %reshape3A_146, %dot_general3A_147 {dimension_numbers = #tpu.dot_dimension_numbers<[1], [0], [0], [1], [0, 0, 1, 1], [], []>, precision = #tpu.contract_precision<fp32>, transpose_lhs_hint = false} : vector<64x33xf32>, vector<33x256xf32>, vector<64x256xf32> -> vector<64x256xf32>
    %add3A_149 = arith.addf %add3A_133, %dot_general3A_148 : vector<64x256xf32>
    %get3A_150 = arith.constant 9 : index
    %get3A_151 = arith.constant 0 : index
    %get3A_152 = arith.constant 0 : index
    %get3A_153 = vector.load %arg3[%get3A_150, %get3A_151, %get3A_152] : memref<16x128x64xf32, #tpu.memory_space<vmem>>, vector<1x128x64xf32>
    %get3A_154 = vector.shape_cast %get3A_153 : vector<1x128x64xf32> to vector<128x64xf32>
    %dot_general3A_155 = arith.constant dense<0.000000e+00> : vector<64x33xf32>
    %dot_general3A_156 = tpu.matmul %get3A_154, %get3A_1, %dot_general3A_155 {dimension_numbers = #tpu.dot_dimension_numbers<[0], [1], [1], [0], [0, 1, 1, 0], [], []>, precision = #tpu.contract_precision<fp32>, transpose_lhs_hint = false} : vector<128x64xf32>, vector<33x128xf32>, vector<64x33xf32> -> vector<64x33xf32>
    %get3A_157 = arith.constant 76032 : index
    %get3A_158 = vector.load %arg0[%get3A_157] : memref<270336xf32, #tpu.memory_space<vmem>>, vector<8448xf32>
    %get3A_159 = arith.constant 211200 : index
    %get3A_160 = vector.load %arg0[%get3A_159] : memref<270336xf32, #tpu.memory_space<vmem>>, vector<8448xf32>
    %add3A_161 = arith.addf %get3A_158, %get3A_160 : vector<8448xf32>
    %reshape3A_162 = vector.shape_cast %add3A_161 : vector<8448xf32> to vector<33x256xf32>
    %dot_general3A_163 = arith.constant dense<0.000000e+00> : vector<64x256xf32>
    %dot_general3A_164 = tpu.matmul %dot_general3A_156, %reshape3A_162, %dot_general3A_163 {dimension_numbers = #tpu.dot_dimension_numbers<[1], [0], [0], [1], [0, 0, 1, 1], [], []>, precision = #tpu.contract_precision<fp32>, transpose_lhs_hint = false} : vector<64x33xf32>, vector<33x256xf32>, vector<64x256xf32> -> vector<64x256xf32>
    %add3A_165 = arith.addf %add3A_149, %dot_general3A_164 : vector<64x256xf32>
    %get3A_166 = arith.constant 10 : index
    %get3A_167 = arith.constant 0 : index
    %get3A_168 = arith.constant 0 : index
    %get3A_169 = vector.load %arg3[%get3A_166, %get3A_167, %get3A_168] : memref<16x128x64xf32, #tpu.memory_space<vmem>>, vector<1x128x64xf32>
    %get3A_170 = vector.shape_cast %get3A_169 : vector<1x128x64xf32> to vector<128x64xf32>
    %dot_general3A_171 = arith.constant dense<0.000000e+00> : vector<64x33xf32>
    %dot_general3A_172 = tpu.matmul %get3A_170, %get3A_1, %dot_general3A_171 {dimension_numbers = #tpu.dot_dimension_numbers<[0], [1], [1], [0], [0, 1, 1, 0], [], []>, precision = #tpu.contract_precision<fp32>, transpose_lhs_hint = false} : vector<128x64xf32>, vector<33x128xf32>, vector<64x33xf32> -> vector<64x33xf32>
    %get3A_173 = arith.constant 84480 : index
    %get3A_174 = vector.load %arg0[%get3A_173] : memref<270336xf32, #tpu.memory_space<vmem>>, vector<8448xf32>
    %get3A_175 = arith.constant 219648 : index
    %get3A_176 = vector.load %arg0[%get3A_175] : memref<270336xf32, #tpu.memory_space<vmem>>, vector<8448xf32>
    %add3A_177 = arith.addf %get3A_174, %get3A_176 : vector<8448xf32>
    %reshape3A_178 = vector.shape_cast %add3A_177 : vector<8448xf32> to vector<33x256xf32>
    %dot_general3A_179 = arith.constant dense<0.000000e+00> : vector<64x256xf32>
    %dot_general3A_180 = tpu.matmul %dot_general3A_172, %reshape3A_178, %dot_general3A_179 {dimension_numbers = #tpu.dot_dimension_numbers<[1], [0], [0], [1], [0, 0, 1, 1], [], []>, precision = #tpu.contract_precision<fp32>, transpose_lhs_hint = false} : vector<64x33xf32>, vector<33x256xf32>, vector<64x256xf32> -> vector<64x256xf32>
    %add3A_181 = arith.addf %add3A_165, %dot_general3A_180 : vector<64x256xf32>
    %get3A_182 = arith.constant 11 : index
    %get3A_183 = arith.constant 0 : index
    %get3A_184 = arith.constant 0 : index
    %get3A_185 = vector.load %arg3[%get3A_182, %get3A_183, %get3A_184] : memref<16x128x64xf32, #tpu.memory_space<vmem>>, vector<1x128x64xf32>
    %get3A_186 = vector.shape_cast %get3A_185 : vector<1x128x64xf32> to vector<128x64xf32>
    %dot_general3A_187 = arith.constant dense<0.000000e+00> : vector<64x33xf32>
    %dot_general3A_188 = tpu.matmul %get3A_186, %get3A_1, %dot_general3A_187 {dimension_numbers = #tpu.dot_dimension_numbers<[0], [1], [1], [0], [0, 1, 1, 0], [], []>, precision = #tpu.contract_precision<fp32>, transpose_lhs_hint = false} : vector<128x64xf32>, vector<33x128xf32>, vector<64x33xf32> -> vector<64x33xf32>
    %get3A_189 = arith.constant 92928 : index
    %get3A_190 = vector.load %arg0[%get3A_189] : memref<270336xf32, #tpu.memory_space<vmem>>, vector<8448xf32>
    %get3A_191 = arith.constant 228096 : index
    %get3A_192 = vector.load %arg0[%get3A_191] : memref<270336xf32, #tpu.memory_space<vmem>>, vector<8448xf32>
    %add3A_193 = arith.addf %get3A_190, %get3A_192 : vector<8448xf32>
    %reshape3A_194 = vector.shape_cast %add3A_193 : vector<8448xf32> to vector<33x256xf32>
    %dot_general3A_195 = arith.constant dense<0.000000e+00> : vector<64x256xf32>
    %dot_general3A_196 = tpu.matmul %dot_general3A_188, %reshape3A_194, %dot_general3A_195 {dimension_numbers = #tpu.dot_dimension_numbers<[1], [0], [0], [1], [0, 0, 1, 1], [], []>, precision = #tpu.contract_precision<fp32>, transpose_lhs_hint = false} : vector<64x33xf32>, vector<33x256xf32>, vector<64x256xf32> -> vector<64x256xf32>
    %add3A_197 = arith.addf %add3A_181, %dot_general3A_196 : vector<64x256xf32>
    %get3A_198 = arith.constant 12 : index
    %get3A_199 = arith.constant 0 : index
    %get3A_200 = arith.constant 0 : index
    %get3A_201 = vector.load %arg3[%get3A_198, %get3A_199, %get3A_200] : memref<16x128x64xf32, #tpu.memory_space<vmem>>, vector<1x128x64xf32>
    %get3A_202 = vector.shape_cast %get3A_201 : vector<1x128x64xf32> to vector<128x64xf32>
    %dot_general3A_203 = arith.constant dense<0.000000e+00> : vector<64x33xf32>
    %dot_general3A_204 = tpu.matmul %get3A_202, %get3A_1, %dot_general3A_203 {dimension_numbers = #tpu.dot_dimension_numbers<[0], [1], [1], [0], [0, 1, 1, 0], [], []>, precision = #tpu.contract_precision<fp32>, transpose_lhs_hint = false} : vector<128x64xf32>, vector<33x128xf32>, vector<64x33xf32> -> vector<64x33xf32>
    %get3A_205 = arith.constant 101376 : index
    %get3A_206 = vector.load %arg0[%get3A_205] : memref<270336xf32, #tpu.memory_space<vmem>>, vector<8448xf32>
    %get3A_207 = arith.constant 236544 : index
    %get3A_208 = vector.load %arg0[%get3A_207] : memref<270336xf32, #tpu.memory_space<vmem>>, vector<8448xf32>
    %add3A_209 = arith.addf %get3A_206, %get3A_208 : vector<8448xf32>
    %reshape3A_210 = vector.shape_cast %add3A_209 : vector<8448xf32> to vector<33x256xf32>
    %dot_general3A_211 = arith.constant dense<0.000000e+00> : vector<64x256xf32>
    %dot_general3A_212 = tpu.matmul %dot_general3A_204, %reshape3A_210, %dot_general3A_211 {dimension_numbers = #tpu.dot_dimension_numbers<[1], [0], [0], [1], [0, 0, 1, 1], [], []>, precision = #tpu.contract_precision<fp32>, transpose_lhs_hint = false} : vector<64x33xf32>, vector<33x256xf32>, vector<64x256xf32> -> vector<64x256xf32>
    %add3A_213 = arith.addf %add3A_197, %dot_general3A_212 : vector<64x256xf32>
    %get3A_214 = arith.constant 13 : index
    %get3A_215 = arith.constant 0 : index
    %get3A_216 = arith.constant 0 : index
    %get3A_217 = vector.load %arg3[%get3A_214, %get3A_215, %get3A_216] : memref<16x128x64xf32, #tpu.memory_space<vmem>>, vector<1x128x64xf32>
    %get3A_218 = vector.shape_cast %get3A_217 : vector<1x128x64xf32> to vector<128x64xf32>
    %dot_general3A_219 = arith.constant dense<0.000000e+00> : vector<64x33xf32>
    %dot_general3A_220 = tpu.matmul %get3A_218, %get3A_1, %dot_general3A_219 {dimension_numbers = #tpu.dot_dimension_numbers<[0], [1], [1], [0], [0, 1, 1, 0], [], []>, precision = #tpu.contract_precision<fp32>, transpose_lhs_hint = false} : vector<128x64xf32>, vector<33x128xf32>, vector<64x33xf32> -> vector<64x33xf32>
    %get3A_221 = arith.constant 109824 : index
    %get3A_222 = vector.load %arg0[%get3A_221] : memref<270336xf32, #tpu.memory_space<vmem>>, vector<8448xf32>
    %get3A_223 = arith.constant 244992 : index
    %get3A_224 = vector.load %arg0[%get3A_223] : memref<270336xf32, #tpu.memory_space<vmem>>, vector<8448xf32>
    %add3A_225 = arith.addf %get3A_222, %get3A_224 : vector<8448xf32>
    %reshape3A_226 = vector.shape_cast %add3A_225 : vector<8448xf32> to vector<33x256xf32>
    %dot_general3A_227 = arith.constant dense<0.000000e+00> : vector<64x256xf32>
    %dot_general3A_228 = tpu.matmul %dot_general3A_220, %reshape3A_226, %dot_general3A_227 {dimension_numbers = #tpu.dot_dimension_numbers<[1], [0], [0], [1], [0, 0, 1, 1], [], []>, precision = #tpu.contract_precision<fp32>, transpose_lhs_hint = false} : vector<64x33xf32>, vector<33x256xf32>, vector<64x256xf32> -> vector<64x256xf32>
    %add3A_229 = arith.addf %add3A_213, %dot_general3A_228 : vector<64x256xf32>
    %get3A_230 = arith.constant 14 : index
    %get3A_231 = arith.constant 0 : index
    %get3A_232 = arith.constant 0 : index
    %get3A_233 = vector.load %arg3[%get3A_230, %get3A_231, %get3A_232] : memref<16x128x64xf32, #tpu.memory_space<vmem>>, vector<1x128x64xf32>
    %get3A_234 = vector.shape_cast %get3A_233 : vector<1x128x64xf32> to vector<128x64xf32>
    %dot_general3A_235 = arith.constant dense<0.000000e+00> : vector<64x33xf32>
    %dot_general3A_236 = tpu.matmul %get3A_234, %get3A_1, %dot_general3A_235 {dimension_numbers = #tpu.dot_dimension_numbers<[0], [1], [1], [0], [0, 1, 1, 0], [], []>, precision = #tpu.contract_precision<fp32>, transpose_lhs_hint = false} : vector<128x64xf32>, vector<33x128xf32>, vector<64x33xf32> -> vector<64x33xf32>
    %get3A_237 = arith.constant 118272 : index
    %get3A_238 = vector.load %arg0[%get3A_237] : memref<270336xf32, #tpu.memory_space<vmem>>, vector<8448xf32>
    %get3A_239 = arith.constant 253440 : index
    %get3A_240 = vector.load %arg0[%get3A_239] : memref<270336xf32, #tpu.memory_space<vmem>>, vector<8448xf32>
    %add3A_241 = arith.addf %get3A_238, %get3A_240 : vector<8448xf32>
    %reshape3A_242 = vector.shape_cast %add3A_241 : vector<8448xf32> to vector<33x256xf32>
    %dot_general3A_243 = arith.constant dense<0.000000e+00> : vector<64x256xf32>
    %dot_general3A_244 = tpu.matmul %dot_general3A_236, %reshape3A_242, %dot_general3A_243 {dimension_numbers = #tpu.dot_dimension_numbers<[1], [0], [0], [1], [0, 0, 1, 1], [], []>, precision = #tpu.contract_precision<fp32>, transpose_lhs_hint = false} : vector<64x33xf32>, vector<33x256xf32>, vector<64x256xf32> -> vector<64x256xf32>
    %add3A_245 = arith.addf %add3A_229, %dot_general3A_244 : vector<64x256xf32>
    %get3A_246 = arith.constant 15 : index
    %get3A_247 = arith.constant 0 : index
    %get3A_248 = arith.constant 0 : index
    %get3A_249 = vector.load %arg3[%get3A_246, %get3A_247, %get3A_248] : memref<16x128x64xf32, #tpu.memory_space<vmem>>, vector<1x128x64xf32>
    %get3A_250 = vector.shape_cast %get3A_249 : vector<1x128x64xf32> to vector<128x64xf32>
    %dot_general3A_251 = arith.constant dense<0.000000e+00> : vector<64x33xf32>
    %dot_general3A_252 = tpu.matmul %get3A_250, %get3A_1, %dot_general3A_251 {dimension_numbers = #tpu.dot_dimension_numbers<[0], [1], [1], [0], [0, 1, 1, 0], [], []>, precision = #tpu.contract_precision<fp32>, transpose_lhs_hint = false} : vector<128x64xf32>, vector<33x128xf32>, vector<64x33xf32> -> vector<64x33xf32>
    %get3A_253 = arith.constant 126720 : index
    %get3A_254 = vector.load %arg0[%get3A_253] : memref<270336xf32, #tpu.memory_space<vmem>>, vector<8448xf32>
    %get3A_255 = arith.constant 261888 : index
    %get3A_256 = vector.load %arg0[%get3A_255] : memref<270336xf32, #tpu.memory_space<vmem>>, vector<8448xf32>
    %add3A_257 = arith.addf %get3A_254, %get3A_256 : vector<8448xf32>
    %reshape3A_258 = vector.shape_cast %add3A_257 : vector<8448xf32> to vector<33x256xf32>
    %dot_general3A_259 = arith.constant dense<0.000000e+00> : vector<64x256xf32>
    %dot_general3A_260 = tpu.matmul %dot_general3A_252, %reshape3A_258, %dot_general3A_259 {dimension_numbers = #tpu.dot_dimension_numbers<[1], [0], [0], [1], [0, 0, 1, 1], [], []>, precision = #tpu.contract_precision<fp32>, transpose_lhs_hint = false} : vector<64x33xf32>, vector<33x256xf32>, vector<64x256xf32> -> vector<64x256xf32>
    %add3A_261 = arith.addf %add3A_245, %dot_general3A_260 : vector<64x256xf32>
    %get3A_262 = arith.constant 0 : index
    %get3A_263 = arith.constant 0 : index
    %get3A_264 = vector.load %arg4[%get3A_262, %get3A_263] : memref<128x64xf32, #tpu.memory_space<vmem>>, vector<128x64xf32>
    %dot_general3A_265 = arith.constant dense<0.000000e+00> : vector<64x33xf32>
    %dot_general3A_266 = tpu.matmul %get3A_264, %get3A_1, %dot_general3A_265 {dimension_numbers = #tpu.dot_dimension_numbers<[0], [1], [1], [0], [0, 1, 1, 0], [], []>, precision = #tpu.contract_precision<fp32>, transpose_lhs_hint = false} : vector<128x64xf32>, vector<33x128xf32>, vector<64x33xf32> -> vector<64x33xf32>
    %dot_general3A_267 = arith.constant dense<0.000000e+00> : vector<64x256xf32>
    %dot_general3A_268 = tpu.matmul %dot_general3A_266, %reshape3A, %dot_general3A_267 {dimension_numbers = #tpu.dot_dimension_numbers<[1], [0], [0], [1], [0, 0, 1, 1], [], []>, precision = #tpu.contract_precision<fp32>, transpose_lhs_hint = false} : vector<64x33xf32>, vector<33x256xf32>, vector<64x256xf32> -> vector<64x256xf32>
    %add3A_269 = arith.addf %add3A_261, %dot_general3A_268 : vector<64x256xf32>
    %reduce_sum3A = arith.constant dense<0.000000e+00> : vector<256xf32>
    %reduce_sum3A_270 = vector.multi_reduction <add>, %reshape3A, %reduce_sum3A [0] : vector<33x256xf32> to vector<256xf32>
    %broadcast_in_dim3A_271 = vector.shape_cast %reduce_sum3A_270 : vector<256xf32> to vector<1x256xf32>
    %get3A_272 = arith.constant 0 : index
    %get3A_273 = arith.constant 0 : index
    %get3A_274 = vector.load %arg5[%get3A_272, %get3A_273] : memref<64x1xf32, #tpu.memory_space<vmem>>, vector<64x1xf32>
    %mul3A = vector.broadcast %get3A_274 : vector<64x1xf32> to vector<64x256xf32>
    %mul3A_275 = vector.broadcast %broadcast_in_dim3A_271 : vector<1x256xf32> to vector<64x256xf32>
    %mul3A_276 = arith.mulf %mul3A, %mul3A_275 : vector<64x256xf32>
    %add3A_277 = arith.addf %add3A_269, %mul3A_276 : vector<64x256xf32>
    %max3A = arith.constant 1.000000e+00 : f32
    %max3A_278 = vector.broadcast %max3A : f32 to vector<1x256xf32>
    %max3A_279 = arith.maximumf %broadcast_in_dim3A_271, %max3A_278 : vector<1x256xf32>
    %div3A = vector.broadcast %max3A_279 : vector<1x256xf32> to vector<64x256xf32>
    %div3A_280 = arith.divf %add3A_277, %div3A : vector<64x256xf32>
    %transpose3A = tpu.transpose %div3A_280, [1, 0] : vector<64x256xf32> -> vector<256x64xf32>
    %swap3A = arith.constant 0 : index
    %swap3A_281 = arith.constant 0 : index
    %swap3A_282 = vector.load %arg6[%swap3A, %swap3A_281] : memref<256x64xf32, #tpu.memory_space<vmem>>, vector<256x64xf32>
    tpu.vector_store %arg6[%swap3A, %swap3A_281], %transpose3A {strides = array<i32>} : memref<256x64xf32, #tpu.memory_space<vmem>>, vector<256x64xf32>,
    return
  }
}

</mosaic_0001>

<sc_bundles>
// kernel: kernel.4.cloned.1.call-start
scs
__scs_entry_jumppad:
0x0: {  	(pc) =	sbr.rel $0x88, $3  }
0x1: {  	(tag) =	ssettag $0x0;
	lr =	simm.s32 $0x1  }
0x2: {  	[smem:$0x3F99] =	sst lr;
	_ =	strace $0xD0000000  }
0x3: {  	_ = 	snop  }
0x4: {  	_ = 	snop  }
0x5: {  	_ = 	snop  }
0x6: {  	_ = 	snop  }
0x7: {  	_ = 	snop  }
__scs_overlays_trampoline_lowered:
0x8: {  	[smem:$0x3FA8] =	sst s0  }
0x9: {  	[smem:$0x3FA9] =	sst s1  }
0xa: {  	[smem:$0x3FAA] =	sst s2  }
0xb: {  	[smem:$0x3FAB] =	sst s3  }
0xc: {  	[smem:$0x3FAC] =	sst s4  }
0xd: {  	[smem:$0x3FAD] =	sst s5  }
0xe: {  	[smem:$0x3FAE] =	sst s6  }
0xf: {  	[smem:$0x3FAF] =	sst s7  }
0x10: {  	[smem:$0x3FB0] =	sst s8  }
0x11: {  	[smem:$0x3FB1] =	sst s9;
	s0 =	simm.s32 @!p0 $0x0  }
0x12: {  	s1 =	sld [smem:$0x3F97];
	s0 =	simm.s32 @p0 $0x1  }
0x13: {  	[smem:$0x3FB2] =	sst s0;
	s0 =	simm.s32 @!p1 $0x0  }
0x14: {  	s2 =	sld [smem:$0x3F96];
	s0 =	simm.s32 @p1 $0x1  }
0x15: {  	[smem:$0x3FB3] =	sst s0;
	s0 =	simm.s32 @!p2 $0x0  }
0x16: {  	s3 =	sld [smem:$0x3FDB];
	s0 =	simm.s32 @p2 $0x1  }
0x17: {  	s4 =	simm.s32 $0x1BF5;
	[smem:$0x3FB5] =	sst s0  }
0x18: {  	s0 =	sld [smem:$0x3F98];
	_ =	swait.ge [sflag:s4], $0x0  }
0x19: {  	s7 =	sld [smem:$0x3F99]  }
0x1a: {  	s8 =	sadd.s32 $0xFFFFE003, lr  }
0x1b: {  	s9 =	sadd.s32 $0xFFFFFEF7, lr;
	s5 =	simm.s32 $0xFFFFFFFF;
	p2 =	slt.u32 s8, $0xFFFFF086  }
0x1c: {  	p1 =	slt.u32 s9, $0xF7A;
	s5 =	simm.s32 @!p2 $0x0  }
0x1d: {  	s5 =	simm.s32 @p1 $0x1;
	p0 =	seq.s32 s7, s2  }
0x1e: {  	s7 =	smul.u32 @!p0 $0xF7A, s2;
	p2 =	seq.s32 @!p0 s5, $0x0  }
0x1f: {  	s9 =	smul.u32 $0xF7A, s1;
	s8 =	simm.s32 @!p0 $0x1BF5;
	p2 =	por !p2, p0  }
0x20: {  	[sflag:s8] =	ssyncset.s32 @!p0 $0xFFFFF086;
	s6 =	sadd.s32 @!p0 s3, s7;
	s7 =	simm.s32 @!p0 $0x108  }
0x21: {  	s3 =	sadd.s32 s3, s9;
	s6 =	sadd.s32 @!p0 $0x88, s6;
	s7 =	simm.s32 @p2 $0x1082  }
0x22: {  	[simem:s7], [sflag:s8] =	dma.local @!p0 [hbm:s6], $0xF7A  }
0x23: {  	s9 =	sor.u32 $0xD0000000, s2;
	s6 =	simm.s32 $0x108;
	_ =	swait.ge @!p0 [sflag:s8], $0x0  }
0x24: {  	s3 =	sadd.s32 $0x88, s3;
	s6 =	simm.s32 @!p1 $0x1082;
	[sflag:s4] =	ssyncset.s32 $0xFFFFF086  }
0x25: {  	[simem:s6], [sflag:s4] =	dma.local [hbm:s3], $0xF7A  }
0x26: {  	[smem:$0x3F99] =	sst s1;
	(tag) =	ssettag s2;
	_ =	strace s9  }
0x27: {  	s1 =	sld [smem:$0x3FA9]  }
0x28: {  	s2 =	sld [smem:$0x3FAA]  }
0x29: {  	s4 =	sld [smem:$0x3FAC]  }
0x2a: {  	p0 =	seq.s32 s5, $0x0;
	s5 =	sld [smem:$0x3FAD]  }
0x2b: {  	s6 =	sld [smem:$0x3FAE]  }
0x2c: {  	s7 =	sld [smem:$0x3FAF]  }
0x2d: {  	s3 =	simm.s32 $0x108;
	s8 =	sld [smem:$0x3FB0]  }
0x2e: {  	s3 =	simm.s32 @!p0 $0x1082;
	s9 =	sld [smem:$0x3FB1]  }
0x2f: {  	lr =	sadd.s32 s0, s3;
	s0 =	sld [smem:$0x3FA8]  }
0x30: {  	s3 =	sld [smem:$0x3FAB]  }
0x31: {  	[smem:$0x3FB4] =	sst s10  }
0x32: {  	s10 =	sld [smem:$0x3FB2];
	_ =	sdelay $0x3  }
0x33: {  	p0 =	seq.s32 s10, $0x1;
	s10 =	sld [smem:$0x3FB4];
	_ =	sdelay $0x3  }
0x34: {  	[smem:$0x3FB4] =	sst s10  }
0x35: {  	s10 =	sld [smem:$0x3FB3];
	_ =	sdelay $0x3  }
0x36: {  	p1 =	seq.s32 s10, $0x1;
	s10 =	sld [smem:$0x3FB4];
	_ =	sdelay $0x3  }
0x37: {  	[smem:$0x3FB4] =	sst s10  }
0x38: {  	s10 =	sld [smem:$0x3FB5]  }
0x39: {  	_ = 	snop;
	(pc) =	sbr.ind lr, $3  }
0x3a: {  	_ = 	snop  }
0x3b: {  	_ = 	snop  }
0x3c: {  	p2 =	seq.s32 s10, $0x1;
	s10 =	sld [smem:$0x3FB4]  }
0x3d: {  	_ =	shalt  }
0x3e: {  	_ =	shalt  }
0x3f: {  	_ =	shalt  }
0x40: {  	_ =	shalt  }
0x41: {  	_ =	shalt  }
0x42: {  	_ =	shalt  }
0x43: {  	_ =	shalt  }
0x44: {  	_ =	shalt  }
0x45: {  	_ =	shalt  }
0x46: {  	_ =	shalt  }
0x47: {  	_ =	shalt  }
0x48: {  	_ =	shalt  }
0x49: {  	_ =	shalt  }
0x4a: {  	_ =	shalt  }
0x4b: {  	_ =	shalt  }
0x4c: {  	_ =	shalt  }
0x4d: {  	_ =	shalt  }
0x4e: {  	_ =	shalt  }
0x4f: {  	_ =	shalt  }
0x50: {  	_ =	shalt  }
0x51: {  	_ =	shalt  }
0x52: {  	_ =	shalt  }
0x53: {  	_ =	shalt  }
0x54: {  	_ =	shalt  }
0x55: {  	_ =	shalt  }
0x56: {  	_ =	shalt  }
0x57: {  	_ =	shalt  }
0x58: {  	_ =	shalt  }
0x59: {  	_ =	shalt  }
0x5a: {  	_ =	shalt  }
0x5b: {  	_ =	shalt  }
0x5c: {  	_ =	shalt  }
0x5d: {  	_ =	shalt  }
0x5e: {  	_ =	shalt  }
0x5f: {  	_ =	shalt  }
0x60: {  	_ =	shalt  }
0x61: {  	_ =	shalt  }
0x62: {  	_ =	shalt  }
0x63: {  	_ =	shalt  }
0x64: {  	_ =	shalt  }
0x65: {  	_ =	shalt  }
0x66: {  	_ =	shalt  }
0x67: {  	_ =	shalt  }
0x68: {  	_ =	shalt  }
0x69: {  	_ =	shalt  }
0x6a: {  	_ =	shalt  }
0x6b: {  	_ =	shalt  }
0x6c: {  	_ =	shalt  }
0x6d: {  	_ =	shalt  }
0x6e: {  	_ =	shalt  }
0x6f: {  	_ =	shalt  }
0x70: {  	_ =	shalt  }
0x71: {  	_ =	shalt  }
0x72: {  	_ =	shalt  }
0x73: {  	_ =	shalt  }
0x74: {  	_ =	shalt  }
0x75: {  	_ =	shalt  }
0x76: {  	_ =	shalt  }
0x77: {  	_ =	shalt  }
0x78: {  	_ =	shalt  }
0x79: {  	_ =	shalt  }
0x7a: {  	_ =	shalt  }
0x7b: {  	_ =	shalt  }
0x7c: {  	_ =	shalt  }
0x7d: {  	_ =	shalt  }
0x7e: {  	_ =	shalt  }
0x7f: {  	_ =	shalt  }
0x80: {  	_ =	shalt  }
0x81: {  	_ =	shalt  }
0x82: {  	_ =	shalt  }
0x83: {  	_ =	shalt  }
0x84: {  	_ =	shalt  }
0x85: {  	_ =	shalt  }
0x86: {  	_ =	shalt  }
0x87: {  	_ =	shalt  }
.Lfunc_end0:
.L_simem_size_0:
called_computation_lowered:
.L_overlay_start_0:
0x88: {  	s2 =	sld [smem:$0x3FD9]  }
0x89: {  	s3 =	sld [smem:$0x3FFE];
	_ =	sdelay $0x1  }
0x8a: {  	s1 =	srdreg.scid  }
0x8b: {  	s0 =	sand.u32 $0x1, s1  }
0x8c: {  	s17 =	sshll.u32 s0, $0xA;
	s2 =	sadd.s32 s3, s2  }
0x8d: {  	s2 =	sadd.s32 s2, s17  }
0x8e: {  	[smem:$0x3FC0] =	sst s2  }
0x8f: {  	_ = 	snop  }
0x90: {  	s2 =	sld [smem:$0x3FC6]  }
0x91: {  	s18 =	sld [smem:$0x3FD0];
	(tm) =	ssettm $0x1  }
0x92: {  	s4 =	sld [smem:$0x3FFB];
	_ =	sdelay $0x3  }
0x93: {  	_ =	strace s4  }
0x94: {  	s4 =	sld [smem:$0x3FFC];
	_ =	sdelay $0x3  }
0x95: {  	_ =	strace s4  }
0x96: {  	s4 =	sld [smem:$0x3FFD];
	_ =	sdelay $0x3  }
0x97: {  	_ =	strace s4  }
0x98: {  	_ =	strace $0x8FFFFFFF  }
0x99: {  	s19 =	sld [smem:$0x3FDB];
	_ =	sdelay $0x1  }
0x9a: {  	s5 =	simm.s32 $_scs_section_size  }
0x9b: {  	s6 =	simm.s32 $_size__tile_overlayer_lowered;
	s7 =	simm.s32 $_tile_overlayer_lowered  }
0x9c: {  	s22 =	simm.s32 $0x1BFF;
	s21 =	sshll.u32 s7, $0x1;
	s4 =	sadd.s32 s5, s19  }
0x9d: {  	s8 =	simm.s32 $0x0;
	s20 =	sshll.u32 s6, $0x1;
	s6 =	sadd.s32 s21, s4  }
0x9e: {  	[timem:s8], [sflag:s22] =	dma.local [hbm:s6], s20  }
0x9f: {  	_ =	swait.ge [sflag:s22], s20  }
0xa0: {  	s5 =	ssub.s32 $0x0, s20;
	[sflag:s22] =	ssyncset.done $0x0  }
0xa1: {  	[sflag:s22] =	ssyncadd.s32 s5;
	_ =	sdelay $0x1  }
0xa2: {  	s23 =	simm.s32 $0x1B8B  }
0xa3: {  	_ =	swait.ge [sflag:s23], $0x1  }
0xa4: {  	[sflag:s23] =	ssyncset.done $0x0  }
0xa5: {  	s25 =	simm.s32 $0x1B8E;
	s24 =	sld [smem:$0x3FFE];
	[sflag:s23] =	ssyncadd.s32 $0xFFFFFFFF  }
0xa6: {  	s26 =	simm.s32 $execute0_lowered;
	[smem:$0x3FD2] =	sst s25  }
0xa7: {  	s6 =	sshll.u32 s26, $0x1;
	_ =	strace $0x80000046;
	[dreg:$0x1] =	wrdreg $0xFFFFFFFF  }
0xa8: {  	s28 =	simm.s32 $_size_execute0_lowered;
	s4 =	sadd.s32 s4, s6;
	[dreg:$0x0] =	wrdreg $0x0  }
0xa9: {  	s6 =	sshll.u32 s28, $0x1;
	[dreg:$0x2] =	wrdreg s4  }
0xaa: {  	[dreg:$0x3] =	wrdreg s6  }
0xab: {  	[dreg:$0x4] =	wrdreg $0xC0  }
0xac: {  	_ =	task [dreg:s8], $0x5FFFF  }
0xad: {  	[dreg:$0x1] =	wrdreg $0xFFFFFFFF  }
0xae: {  	[dreg:$0x0] =	wrdreg $0x60  }
0xaf: {  	[dreg:$0x2] =	wrdreg s24  }
0xb0: {  	[dreg:$0x3] =	wrdreg s18  }
0xb1: {  	[dreg:$0x4] =	wrdreg s2  }
0xb2: {  	[dreg:$0x5] =	wrdreg $0x117800  }
0xb3: {  	[dreg:$0x6] =	wrdreg $0x13E900  }
0xb4: {  	[dreg:$0x7] =	wrdreg $0x15F900  }
0xb5: {  	[dreg:$0x8] =	wrdreg $0x9  }
0xb6: {  	_ =	task.clear_ibuf [dreg:s8], $0x9FFFF;
	_ =	strace $0x90000046  }
0xb7: {  	s29 =	simm.s32 $0x9;
	_ =	strace $0x80000048  }
0xb8: {  	_ =	swait.ge [sflag:s29], $0x1  }
0xb9: {  	[sflag:s29] =	ssyncadd.s32 $0xFFFFFFFF  }
0xba: {  	_ =	strace $0x90000048  }
0xbb: {  	_ =	sfence  }
0xbc: {  	s30 =	sld [smem:$0x0];
	_ =	sdelay $0x2  }
0xbd: {  	s31 =	sshll.u32 s1, $0xD;
	s1 =	sshrl.u32 s1, $0x2  }
0xbe: {  	s3 =	sand.u32 $0x4000, s31;
	s1 =	sadd.s32 s1, s30  }
0xbf: {  	s0 =	sor.u32 s3, s0;
	s1 =	sshll.u32 s1, $0x11  }
0xc0: {  	s0 =	sor.u32 s1, s0  }
0xc1: {  	s0 =	sadd.s32 $0x8F2B, s0  }
0xc2: {  	[sflag:s0] =	ssyncadd.remote.s32 $0x1  }
0xc3: {  	_ =	sfence.sel $0xFFFF  }
0xc4: {  	[dreg:$0x0] =	wrdreg $0xFFFFFFFF;
	(pc) =	sbr.abs _section_cstart, $3  }
0xc5: {  	[dreg:$0x1] =	wrdreg $0xFFFFFFFF  }
0xc6: {  	_ =	task.clear_ibuf [dreg:s8], $0x2FFFF;
	_ =	strace $0x9FFFFFFF  }
0xc7: {  	(tm) =	ssettm $0x7FFFFFFF  }
tec
execute0_lowered:
.L_overlay_start_1:
0x0: {  	(tag) =	ssettag $0x1  }
0x1: {  	s0 =	rddreg [dreg:$0x0]  }
0x2: {  	s4 =	rddreg [dreg:$0x3]  }
0x3: {  	s1 =	srdreg.scid;
	s18 =	rddreg [dreg:$0x4]  }
0x4: {  	s17 =	stileid.u32;
	s19 =	rddreg [dreg:$0x5]  }
0x5: {  	s7 =	simm.s32 $0x0;
	s20 =	simm.s32 $0x2780;
	s6 =	smul.u32 $0x2100, s17  }
0x6: {  	s22 =	simm.s32 $0x9E00;
	s28 =	simm.s32 $0x4;
	s13 =	smul.u32 $0x210, s17  }
0x7: {  	s29 =	simm.s32 $0x1;
	s30 =	simm.s32 $0x2;
	s15 =	smul.u32 $0x9C40, s17  }
0x8: {  	s1 =	sand.u32 $0x1, s1;
	[smem:$0x7FF] =	sst s7;
	s31 =	smul.u32 $0x139, s17  }
0x9: {  	s9 =	sadd.s32 $0x14A00, s0;
	s2 =	sshll.u32 s1, $0x4;
	s8 =	smul.u32 $0x21000, s1  }
0xa: {  	_ =	strace $0x80000047;
	s10 =	smul.u32 $0x2100, s1;
	s24 =	ssub.s32 $0x2, s1  }
0xb: {  	s1 =	smul.u32 $0x1390, s1;
	s3 =	sor.u32 s17, s2;
	s2 =	ssub.s32 s17, s2  }
0xc: {  	s12 =	sshrl.u32 s24, $0x1;
	s25 =	sshrl.u32 s15, $0x2;
	s5 =	smul.u32 $0x4E2, s3  }
0xd: {  	s8 =	sadd.s32 s6, s8;
	s10 =	sadd.s32 s13, s10;
	s2 =	smul.u32 $0x2710, s2  }
0xe: {  	s16 =	ssub.s32 s24, s12;
	s3 =	smul.u32 $0x139, s3;
	s12 =	sadd.s32 s6, s18  }
0xf: {  	s13 =	sadd.s32 s13, s19;
	s17 =	sadd.s32 s31, s1;
	s18 =	simm.s32 $0xC580  }
0x10: {  	s19 =	simm.s32 $0xED00;
	s24 =	simm.s32 $0x3;
	s1 =	simm.s32 $0x5  }
0x11: {  	s8 =	sshrl.u32 s8, $0x3;
	s23 =	sshrl.u32 s10, $0x3;
	s16 =	smax.u32 s16, $0x1  }
0x12: {  	s11 =	sadd.s32 s5, s0;
	s14 =	sadd.s32 s8, s0;
	s2 =	sadd.s32 $0x27100, s2  }
0x13: {  	s0 =	sadd.s32 s23, s0;
	s26 =	smin.u32 s3, $0x25D7;
	s23 =	simm.s32 $0x6  }
0x14: {  	s2 =	sshrl.u32 s2, $0x3;
	s10 =	sadd.s32 $0x1000, s11;
	s11 =	sadd.s32 s25, s4  }
0x15: {  	s14 =	sadd.s32 $0x1E800, s14;
	s15 =	sadd.s32 $0x26C00, s0;
	s25 =	simm.s32 $0x2710  }
0x16: {  	v1 =	vimm.f32 $1.000000000e+00;
	s0 =	simm.s32 $0x11600;
	s8 =	sadd.s32 s9, s2;
	s2 =	sadd.s32 $0x139, s26  }
0x17: {  	v2 =	vimm.f32 $0.0e+00;
	v3 =	vlaneseq.u32;
	s9 =	sadd.s32 s9, s5;
	s26 =	simm.s32 $0x7680;
	v0 =	vmov s2;
	s2 =	simm.s32 $0x0  }
.LBB2_1:
0x18: {  	s3 =	rddreg [dreg:$0x1]  }
0x19: {  	[tilespmem:s18], [sflag:$0x1] =	stream.linear.gather [hbm4b:s3+s7], $0x2780, $0x38;
	[tilespmem:$0x161A0] =	vst v63  }
0x1a: {  	s21 =	rddreg [dreg:$0x2]  }
0x1b: {  	[tilespmem:s19], [sflag:$0x2] =	stream.linear.gather [hbm4b:s21+s7], $0x2780, $0x38;
	[tilespmem:$0x161A0] =	vst v63  }
0x1c: {  	_ = 	snop  }
0x1d: {  	[tilespmem:s20], [sflag:$0x3] =	stream.linear.gather [hbm4b:s8+s7], $0x2710, $0x38;
	[tilespmem:$0x161A0] =	vst v63  }
0x1e: {  	_ = 	snop  }
0x1f: {  	[tilespmem:s7], [sflag:$0x4] =	stream.linear.gather [hbm4b:s9+s7], $0x2710, $0x38;
	[tilespmem:$0x161A0] =	vst v63  }
0x20: {  	s31 =	simm.s32 $0x4F00;
	s6 =	simm.s32 $0x76C0  }
0x21: {  	[tilespmem:s31], [sflag:$0x5] =	stream.linear.gather [hbm4b:s10+s7], $0x2710, $0x38;
	[tilespmem:$0x161A0] =	vst v63  }
0x22: {  	s5 =	simm.s32 $0x9E40;
	[tilespmem:s6+$0xFFFFFFC0] =	vst v1  }
0x23: {  	[tilespmem:s5+$0xFFFFFFC0] =	vst v2  }
0x24: {  	[tilespmem:s6+$0xFFFFFFD0] =	vst v1  }
0x25: {  	[tilespmem:s5+$0xFFFFFFD0] =	vst v2  }
0x26: {  	[tilespmem:s6+$0xFFFFFFE0] =	vst v1  }
0x27: {  	[tilespmem:s5+$0xFFFFFFE0] =	vst v2  }
0x28: {  	[tilespmem:s6+$0xFFFFFFF0] =	vst v1  }
0x29: {  	[tilespmem:s5+$0xFFFFFFF0] =	vst v2  }
0x2a: {  	[tilespmem:s6+$0x0] =	vst v1  }
0x2b: {  	[tilespmem:s5+$0x0] =	vst v2  }
0x2c: {  	[tilespmem:s6+$0x10] =	vst v1  }
0x2d: {  	[tilespmem:s5+$0x10] =	vst v2  }
0x2e: {  	[tilespmem:s6+$0x20] =	vst v1  }
0x2f: {  	[tilespmem:s5+$0x20] =	vst v2  }
0x30: {  	[tilespmem:s6+$0x30] =	vst v1  }
0x31: {  	s21 =	simm.s32 $0x7740;
	s6 =	simm.s32 $0x0;
	[tilespmem:s5+$0x30] =	vst v2  }
.LBB2_2:
0x32: {  	[tilespmem:s21+$0xFFFFFFC0] =	vst v1;
	s5 =	sadd.s32 $0x80, s5  }
0x33: {  	[tilespmem:s5+$0xFFFFFFC0] =	vst v2  }
0x34: {  	[tilespmem:s21+$0xFFFFFFD0] =	vst v1  }
0x35: {  	[tilespmem:s5+$0xFFFFFFD0] =	vst v2  }
0x36: {  	[tilespmem:s21+$0xFFFFFFE0] =	vst v1  }
0x37: {  	[tilespmem:s5+$0xFFFFFFE0] =	vst v2  }
0x38: {  	[tilespmem:s21+$0xFFFFFFF0] =	vst v1  }
0x39: {  	[tilespmem:s5+$0xFFFFFFF0] =	vst v2  }
0x3a: {  	[tilespmem:s21+$0x0] =	vst v1  }
0x3b: {  	s6 =	sadd.s32 $0x8, s6;
	[tilespmem:s5+$0x0] =	vst v2  }
0x3c: {  	p0 =	slt.u32 s6, $0x268;
	[tilespmem:s21+$0x10] =	vst v1  }
.Ltmp0:
0x3d: {  	[tilespmem:s5+$0x10] =	vst v2;
	(pc) =	sbr.rel @p0 .LBB2_2-.Ltmp0, $4  }
0x3e: {  	[tilespmem:s21+$0x20] =	vst v1  }
0x3f: {  	[tilespmem:s5+$0x20] =	vst v2  }
0x40: {  	[tilespmem:s21+$0x30] =	vst v1  }
0x41: {  	s21 =	sadd.s32 $0x80, s21;
	[tilespmem:s5+$0x30] =	vst v2  }
0x42: {  	[tilespmem:$0x9D80] =	vst v1  }
0x43: {  	[tilespmem:$0xC500] =	vst v2  }
0x44: {  	[spmem:s11] =	stream.linear.scatter [tilespmem:s22], [sflag:$0x6], $0x2710, $0x38;
	[tilespmem:$0x161A0] =	vst v63  }
0x45: {  	_ =	swait.ge [sflag:s23], $0x2710  }
0x46: {  	[sflag:s23] =	ssyncset.done $0x0  }
0x47: {  	[sflag:s23] =	ssyncadd.s32 $0xFFFFD8F0  }
0x48: {  	[spmem:s12] =	stream.linear.scatter [tilespmem:s22], [sflag:$0x6], $0x2100, $0x38;
	[tilespmem:$0x161A0] =	vst v63  }
0x49: {  	_ =	swait.ge [sflag:s23], $0x2100  }
0x4a: {  	[sflag:s23] =	ssyncset.done $0x0  }
0x4b: {  	[sflag:s23] =	ssyncadd.s32 $0xFFFFDF00  }
0x4c: {  	[spmem:s13] =	stream.linear.scatter [tilespmem:s22], [sflag:$0x6], $0x210, $0x38;
	[tilespmem:$0x161A0] =	vst v63  }
0x4d: {  	_ =	swait.ge [sflag:s23], $0x210  }
0x4e: {  	[sflag:s23] =	ssyncset.done $0x0  }
0x4f: {  	[sflag:s23] =	ssyncadd.s32 $0xFFFFFDF0  }
0x50: {  	[bflag:$0x0] =	sbarrier.arrive $0xFFFF  }
0x51: {  	_ =	swait.ge [sflag:s24], $0x2710  }
0x52: {  	[sflag:s24] =	ssyncset.done $0x0  }
0x53: {  	[sflag:s24] =	ssyncadd.s32 $0xFFFFD8F0  }
0x54: {  	[spmem:s4] =	stream.indirect.scatter.add.f32 [tilespmem:s26], [sflag:$0x6], $0x1, s20, s25, $0xb8;
	[tilespmem:$0x161A0] =	vst v63  }
0x55: {  	_ =	swait.ge [sflag:s23], $0x2710  }
0x56: {  	[sflag:s23] =	ssyncset.done $0x0  }
0x57: {  	[sflag:s23] =	ssyncadd.s32 $0xFFFFD8F0  }
0x58: {  	_ =	swait.ge [sflag:s28], $0x2710  }
0x59: {  	[sflag:s28] =	ssyncset.done $0x0  }
0x5a: {  	[sflag:s28] =	ssyncadd.s32 $0xFFFFD8F0  }
0x5b: {  	[spmem:s4] =	stream.indirect.scatter.add.f32 [tilespmem:s26], [sflag:$0x6], $0x1, s7, s25, $0xb8;
	[tilespmem:$0x161A0] =	vst v63  }
0x5c: {  	_ =	swait.ge [sflag:s23], $0x2710  }
0x5d: {  	[sflag:s23] =	ssyncset.done $0x0  }
0x5e: {  	v4 =	vadd.s32 s17, v3;
	[sflag:s23] =	ssyncadd.s32 $0xFFFFD8F0  }
0x5f: {  	vm0 =	vlt.s32 v4, $0x270F;
	_ =	swait.ge [sflag:s29], $0x2780  }
0x60: {  	v5 =	vnsel vm0, $0x270F, v4;
	[sflag:s29] =	ssyncset.done $0x0  }
0x61: {  	[sflag:s29] =	ssyncadd.s32 $0xFFFFD880  }
0x62: {  	_ =	swait.ge [sflag:s30], $0x2780  }
0x63: {  	[sflag:s30] =	ssyncset.done $0x0  }
0x64: {  	[sflag:s30] =	ssyncadd.s32 $0xFFFFD880  }
0x65: {  	v6 =	vld.idx.msk [tilespmem:v5+s18+$0x0], $0xffff  }
0x66: {  	s5 =	sadd.s32 $0x10, s17;
	v5 =	vld.idx.msk [tilespmem:v5+s19+$0x0], $0xffff  }
0x67: {  	v7 =	vadd.s32 s5, v3  }
0x68: {  	vm0 =	vlt.s32 v7, $0x270F  }
0x69: {  	v8 =	vnsel vm0, $0x270F, v7  }
0x6a: {  	v6 =	vshll.u32 v6, $0x8  }
0x6b: {  	s5 =	simm.s32 $0x114A0;
	vm0 =	vlt.u32 v4, v0;
	v4 =	vadd.s32 v5, v6  }
0x6c: {  	s6 =	simm.s32 $0x11620;
	[tilespmem:s5+$0xFFFFFFE0] =	vst v4;
	v4 =	vsel vm0, $0x3F800000, v2  }
0x6d: {  	[tilespmem:s6+$0xFFFFFFE0] =	vst v4  }
0x6e: {  	v4 =	vld.idx.msk [tilespmem:v8+s18+$0x0], $0xffff  }
0x6f: {  	s21 =	sadd.s32 $0x20, s17;
	v5 =	vld.idx.msk [tilespmem:v8+s19+$0x0], $0xffff  }
0x70: {  	v6 =	vadd.s32 s21, v3  }
0x71: {  	vm0 =	vlt.s32 v6, $0x270F  }
0x72: {  	v62 =	vnsel vm0, $0x270F, v6  }
0x73: {  	v4 =	vshll.u32 v4, $0x8  }
0x74: {  	vm0 =	vlt.u32 v7, v0;
	v4 =	vadd.s32 v5, v4  }
0x75: {  	[tilespmem:s5+$0xFFFFFFF0] =	vst v4;
	v4 =	vsel vm0, $0x3F800000, v2  }
0x76: {  	[tilespmem:s6+$0xFFFFFFF0] =	vst v4  }
0x77: {  	v4 =	vld.idx.msk [tilespmem:v62+s18+$0x0], $0xffff  }
0x78: {  	s3 =	sadd.s32 $0x30, s17;
	v5 =	vld.idx.msk [tilespmem:v62+s19+$0x0], $0xffff  }
0x79: {  	v7 =	vadd.s32 s3, v3  }
0x7a: {  	vm0 =	vlt.s32 v7, $0x270F  }
0x7b: {  	v63 =	vnsel vm0, $0x270F, v7  }
0x7c: {  	v4 =	vshll.u32 v4, $0x8  }
0x7d: {  	vm0 =	vlt.u32 v6, v0;
	v4 =	vadd.s32 v5, v4  }
0x7e: {  	[tilespmem:s5+$0x0] =	vst v4;
	v4 =	vsel vm0, $0x3F800000, v2  }
0x7f: {  	[tilespmem:s6+$0x0] =	vst v4  }
0x80: {  	v4 =	vld.idx.msk [tilespmem:v63+s18+$0x0], $0xffff  }
0x81: {  	v5 =	vld.idx.msk [tilespmem:v63+s19+$0x0], $0xffff;
	_ =	sdelay $0x1  }
0x82: {  	s21 =	sadd.s32 $0x40, s17  }
0x83: {  	v6 =	vadd.s32 s21, v3  }
0x84: {  	vm2 =	vlt.s32 v6, $0x270F;
	v4 =	vshll.u32 v4, $0x8  }
0x85: {  	v5 =	vadd.s32 v5, v4;
	v4 =	vnsel vm2, $0x270F, v6;
	_ =	sdelay $0x1  }
0x86: {  	vm1 =	vlt.u32 v7, v0  }
0x87: {  	s31 =	simm.s32 $0x4;
	vm0 =	vlt.u32 v6, v0;
	[tilespmem:s5+$0x10] =	vst v5;
	v5 =	vsel vm1, $0x3F800000, v2  }
.LBB2_4:
0x88: {  	s31 =	sadd.s32 $0x4, s31;
	[tilespmem:s6+$0x10] =	vst v5;
	s5 =	sadd.s32 $0x40, s5;
	s6 =	sadd.s32 $0x40, s6  }
0x89: {  	p0 =	slt.u32 s31, $0x10;
	v5 =	vld.idx.msk [tilespmem:v4+s18+$0x0], $0xffff  }
0x8a: {  	v4 =	vld.idx.msk [tilespmem:v4+s19+$0x0], $0xffff  }
0x8b: {  	s3 =	sadd.s32 $0x10, s21  }
0x8c: {  	v6 =	vadd.s32 s3, v3  }
0x8d: {  	vm1 =	vlt.u32 v6, v0;
	vm2 =	vlt.s32 v6, $0x270F  }
0x8e: {  	v6 =	vnsel vm2, $0x270F, v6  }
0x8f: {  	v5 =	vshll.u32 v5, $0x8  }
0x90: {  	v4 =	vadd.s32 v4, v5  }
0x91: {  	[tilespmem:s5+$0xFFFFFFE0] =	vst v4;
	v4 =	vsel vm0, $0x3F800000, v2  }
0x92: {  	[tilespmem:s6+$0xFFFFFFE0] =	vst v4  }
0x93: {  	v4 =	vld.idx.msk [tilespmem:v6+s18+$0x0], $0xffff  }
0x94: {  	v5 =	vld.idx.msk [tilespmem:v6+s19+$0x0], $0xffff  }
0x95: {  	s3 =	sadd.s32 $0x20, s21  }
0x96: {  	v6 =	vadd.s32 s3, v3  }
0x97: {  	vm0 =	vlt.s32 v6, $0x270F  }
0x98: {  	v7 =	vnsel vm0, $0x270F, v6  }
0x99: {  	v4 =	vshll.u32 v4, $0x8  }
0x9a: {  	v4 =	vadd.s32 v5, v4  }
0x9b: {  	[tilespmem:s5+$0xFFFFFFF0] =	vst v4;
	v4 =	vsel vm1, $0x3F800000, v2  }
0x9c: {  	[tilespmem:s6+$0xFFFFFFF0] =	vst v4  }
0x9d: {  	v4 =	vld.idx.msk [tilespmem:v7+s18+$0x0], $0xffff  }
0x9e: {  	v5 =	vld.idx.msk [tilespmem:v7+s19+$0x0], $0xffff  }
0x9f: {  	s3 =	sadd.s32 $0x30, s21  }
0xa0: {  	v7 =	vadd.s32 s3, v3  }
0xa1: {  	vm1 =	vlt.u32 v7, v0;
	vm0 =	vlt.s32 v7, $0x270F  }
0xa2: {  	v7 =	vnsel vm0, $0x270F, v7  }
0xa3: {  	v4 =	vshll.u32 v4, $0x8  }
0xa4: {  	vm0 =	vlt.u32 v6, v0;
	v4 =	vadd.s32 v5, v4  }
0xa5: {  	[tilespmem:s5+$0x0] =	vst v4;
	v4 =	vsel vm0, $0x3F800000, v2  }
0xa6: {  	[tilespmem:s6+$0x0] =	vst v4  }
0xa7: {  	v5 =	vld.idx.msk [tilespmem:v7+s18+$0x0], $0xffff  }
0xa8: {  	v6 =	vld.idx.msk [tilespmem:v7+s19+$0x0], $0xffff  }
0xa9: {  	s21 =	sadd.s32 $0x40, s21  }
0xaa: {  	v4 =	vadd.s32 s21, v3  }
.Ltmp1:
0xab: {  	vm0 =	vlt.u32 v4, v0;
	vm2 =	vlt.s32 v4, $0x270F;
	(pc) =	sbr.rel @p0 .LBB2_4-.Ltmp1, $4  }
0xac: {  	v4 =	vnsel vm2, $0x270F, v4  }
0xad: {  	v5 =	vshll.u32 v5, $0x8  }
0xae: {  	v5 =	vadd.s32 v6, v5  }
0xaf: {  	[tilespmem:s5+$0x10] =	vst v5;
	v5 =	vsel vm1, $0x3F800000, v2  }
0xb0: {  	_ =	sdelay $0x2  }
0xb1: {  	[tilespmem:s6+$0x10] =	vst v5  }
0xb2: {  	v5 =	vld.idx.msk [tilespmem:v4+s18+$0x0], $0xffff  }
0xb3: {  	s3 =	sadd.s32 $0x10, s21;
	v4 =	vld.idx.msk [tilespmem:v4+s19+$0x0], $0xffff  }
0xb4: {  	v6 =	vadd.s32 s3, v3  }
0xb5: {  	vm1 =	vlt.s32 v6, $0x270F  }
0xb6: {  	v7 =	vnsel vm1, $0x270F, v6  }
0xb7: {  	v5 =	vshll.u32 v5, $0x8  }
0xb8: {  	s3 =	sadd.s32 $0x40, s5;
	v4 =	vadd.s32 v4, v5  }
0xb9: {  	s5 =	sadd.s32 $0x40, s6;
	[tilespmem:s3+$0xFFFFFFE0] =	vst v4;
	v4 =	vsel vm0, $0x3F800000, v2  }
0xba: {  	[tilespmem:s5+$0xFFFFFFE0] =	vst v4  }
0xbb: {  	v4 =	vld.idx.msk [tilespmem:v7+s18+$0x0], $0xffff  }
0xbc: {  	s6 =	sadd.s32 $0x20, s21;
	v5 =	vld.idx.msk [tilespmem:v7+s19+$0x0], $0xffff  }
0xbd: {  	v61 =	vadd.s32 s6, v3  }
0xbe: {  	vm11 =	vlt.s32 v61, $0x270F  }
0xbf: {  	v8 =	vnsel vm11, $0x270F, v61  }
0xc0: {  	v4 =	vshll.u32 v4, $0x8  }
0xc1: {  	vm12 =	vlt.u32 v6, v0;
	v4 =	vadd.s32 v5, v4  }
0xc2: {  	[tilespmem:s3+$0xFFFFFFF0] =	vst v4;
	v4 =	vsel vm12, $0x3F800000, v2  }
0xc3: {  	[tilespmem:s5+$0xFFFFFFF0] =	vst v4  }
0xc4: {  	v4 =	vld.idx.msk [tilespmem:v8+s18+$0x0], $0xffff  }
0xc5: {  	s21 =	sadd.s32 $0x30, s21;
	v5 =	vld.idx.msk [tilespmem:v8+s19+$0x0], $0xffff  }
0xc6: {  	v62 =	vadd.s32 s21, v3  }
0xc7: {  	vm13 =	vlt.s32 v62, $0x270F  }
0xc8: {  	v63 =	vnsel vm13, $0x270F, v62  }
0xc9: {  	v4 =	vshll.u32 v4, $0x8  }
0xca: {  	vm14 =	vlt.u32 v61, v0;
	v4 =	vadd.s32 v5, v4  }
0xcb: {  	[tilespmem:s3+$0x0] =	vst v4;
	v4 =	vsel vm14, $0x3F800000, v2  }
0xcc: {  	[tilespmem:s5+$0x0] =	vst v4  }
0xcd: {  	v4 =	vld.idx.msk [tilespmem:v63+s18+$0x0], $0xffff  }
0xce: {  	v5 =	vld.idx.msk [tilespmem:v63+s19+$0x0], $0xffff;
	_ =	sdelay $0x3  }
0xcf: {  	v4 =	vshll.u32 v4, $0x8  }
0xd0: {  	vm15 =	vlt.u32 v62, v0;
	v4 =	vadd.s32 v5, v4  }
0xd1: {  	[tilespmem:s3+$0x10] =	vst v4;
	v4 =	vsel vm15, $0x3F800000, v2  }
0xd2: {  	s6 =	simm.s32 $0x140;
	s21 =	simm.s32 $0x11480;
	[tilespmem:s5+$0x10] =	vst v4;
	s5 =	rddreg [dreg:$0x5]  }
0xd3: {  	[spmem:s5] =	stream.indirect.scatter.add.f32 [tilespmem:s0], [sflag:$0x6], $0x1, s21, s6, $0xb8;
	[tilespmem:$0x161A0] =	vst v63  }
0xd4: {  	_ =	swait.ge [sflag:s23], $0x140  }
0xd5: {  	[sflag:s23] =	ssyncset.done $0x0  }
0xd6: {  	[sflag:s23] =	ssyncadd.s32 $0xFFFFFEC0  }
0xd7: {  	[bflag:$0x0] =	sbarrier.arrive $0xFFFF  }
0xd8: {  	_ =	swait.ge [sflag:s1], $0x2710  }
0xd9: {  	[sflag:s1] =	ssyncset.done $0x0  }
0xda: {  	[sflag:s1] =	ssyncadd.s32 $0xFFFFD8F0  }
0xdb: {  	[tilespmem:s22], [sflag:$0x6] =	stream.indirect.gather [spmem:s4], $0x1, s7, s25, $0xb8;
	[tilespmem:$0x161A0] =	vst v63  }
0xdc: {  	_ =	swait.ge [sflag:s23], $0x2710  }
0xdd: {  	s31 =	simm.s32 $0x9E40;
	s5 =	simm.s32 $0xFFFFFFF8;
	[sflag:s23] =	ssyncset.done $0x0  }
0xde: {  	s6 =	simm.s32 $0x40;
	s21 =	simm.s32 $0x4F40;
	[sflag:s23] =	ssyncadd.s32 $0xFFFFD8F0  }
.LBB2_6:
0xdf: {  	v4 =	vld [tilespmem:s6+$0xFFFFFFC0]  }
0xe0: {  	v5 =	vld [tilespmem:s21+$0xFFFFFFC0];
	_ =	sdelay $0x3  }
0xe1: {  	v6 =	vshra.s32 v4, $0x4;
	_ =	sdelay $0x3  }
0xe2: {  	v5 =	vld.idx.msk [tilespmem:v5+s18+$0x0], $0xffff  }
0xe3: {  	v6 =	vld.idx.msk [tilespmem:v6+s19+$0x0], $0xffff;
	_ =	sdelay $0x1  }
0xe4: {  	v4 =	vand.u32 $0xF, v4  }
0xe5: {  	v4 =	vmul.u32 $0x2100, v4;
	_ =	sdelay $0x1  }
0xe6: {  	v5 =	vshll.u32 v5, $0x8;
	v4 =	vadd.s32 v6, v4  }
0xe7: {  	v4 =	vadd.s32 v5, v4  }
0xe8: {  	[tilespmem:s6+$0xFFFFFFC0] =	vst v4  }
0xe9: {  	v4 =	vld [tilespmem:s31+$0xFFFFFFC0];
	_ =	sdelay $0x4  }
0xea: {  	(erf) = vrcp.f32 v4;
	_ =	sdelay $0x8  }
0xeb: {  	v4 =	vpop (erf)  }
0xec: {  	[tilespmem:s31+$0xFFFFFFC0] =	vst v4  }
0xed: {  	v4 =	vld [tilespmem:s6+$0xFFFFFFD0]  }
0xee: {  	v5 =	vld [tilespmem:s21+$0xFFFFFFD0];
	_ =	sdelay $0x3  }
0xef: {  	v57 =	vshra.s32 v4, $0x4;
	_ =	sdelay $0x3  }
0xf0: {  	v5 =	vld.idx.msk [tilespmem:v5+s18+$0x0], $0xffff  }
0xf1: {  	v6 =	vld.idx.msk [tilespmem:v57+s19+$0x0], $0xffff;
	_ =	sdelay $0x1  }
0xf2: {  	v4 =	vand.u32 $0xF, v4  }
0xf3: {  	v4 =	vmul.u32 $0x2100, v4;
	_ =	sdelay $0x1  }
0xf4: {  	v5 =	vshll.u32 v5, $0x8;
	v4 =	vadd.s32 v6, v4  }
0xf5: {  	v4 =	vadd.s32 v5, v4  }
0xf6: {  	[tilespmem:s6+$0xFFFFFFD0] =	vst v4  }
0xf7: {  	v4 =	vld [tilespmem:s31+$0xFFFFFFD0];
	_ =	sdelay $0x4  }
0xf8: {  	(erf) = vrcp.f32 v4;
	_ =	sdelay $0x8  }
0xf9: {  	v4 =	vpop (erf)  }
0xfa: {  	[tilespmem:s31+$0xFFFFFFD0] =	vst v4  }
0xfb: {  	v4 =	vld [tilespmem:s6+$0xFFFFFFE0]  }
0xfc: {  	v5 =	vld [tilespmem:s21+$0xFFFFFFE0];
	_ =	sdelay $0x3  }
0xfd: {  	v58 =	vshra.s32 v4, $0x4;
	_ =	sdelay $0x3  }
0xfe: {  	v5 =	vld.idx.msk [tilespmem:v5+s18+$0x0], $0xffff  }
0xff: {  	v6 =	vld.idx.msk [tilespmem:v58+s19+$0x0], $0xffff;
	_ =	sdelay $0x1  }
0x100: {  	v4 =	vand.u32 $0xF, v4  }
0x101: {  	v4 =	vmul.u32 $0x2100, v4;
	_ =	sdelay $0x1  }
0x102: {  	v5 =	vshll.u32 v5, $0x8;
	v4 =	vadd.s32 v6, v4  }
0x103: {  	v4 =	vadd.s32 v5, v4  }
0x104: {  	[tilespmem:s6+$0xFFFFFFE0] =	vst v4  }
0x105: {  	v4 =	vld [tilespmem:s31+$0xFFFFFFE0];
	_ =	sdelay $0x4  }
0x106: {  	(erf) = vrcp.f32 v4;
	_ =	sdelay $0x8  }
0x107: {  	v4 =	vpop (erf)  }
0x108: {  	[tilespmem:s31+$0xFFFFFFE0] =	vst v4  }
0x109: {  	v4 =	vld [tilespmem:s6+$0xFFFFFFF0]  }
0x10a: {  	v5 =	vld [tilespmem:s21+$0xFFFFFFF0];
	_ =	sdelay $0x3  }
0x10b: {  	v59 =	vshra.s32 v4, $0x4;
	_ =	sdelay $0x3  }
0x10c: {  	v5 =	vld.idx.msk [tilespmem:v5+s18+$0x0], $0xffff  }
0x10d: {  	v6 =	vld.idx.msk [tilespmem:v59+s19+$0x0], $0xffff;
	_ =	sdelay $0x1  }
0x10e: {  	v4 =	vand.u32 $0xF, v4  }
0x10f: {  	v4 =	vmul.u32 $0x2100, v4;
	_ =	sdelay $0x1  }
0x110: {  	v5 =	vshll.u32 v5, $0x8;
	v4 =	vadd.s32 v6, v4  }
0x111: {  	v4 =	vadd.s32 v5, v4  }
0x112: {  	[tilespmem:s6+$0xFFFFFFF0] =	vst v4  }
0x113: {  	v4 =	vld [tilespmem:s31+$0xFFFFFFF0];
	_ =	sdelay $0x4  }
0x114: {  	(erf) = vrcp.f32 v4;
	_ =	sdelay $0x8  }
0x115: {  	v4 =	vpop (erf)  }
0x116: {  	[tilespmem:s31+$0xFFFFFFF0] =	vst v4  }
0x117: {  	v4 =	vld [tilespmem:s6+$0x0]  }
0x118: {  	v5 =	vld [tilespmem:s21+$0x0];
	_ =	sdelay $0x3  }
0x119: {  	v60 =	vshra.s32 v4, $0x4;
	_ =	sdelay $0x3  }
0x11a: {  	v5 =	vld.idx.msk [tilespmem:v5+s18+$0x0], $0xffff  }
0x11b: {  	v6 =	vld.idx.msk [tilespmem:v60+s19+$0x0], $0xffff;
	_ =	sdelay $0x1  }
0x11c: {  	v4 =	vand.u32 $0xF, v4  }
0x11d: {  	v4 =	vmul.u32 $0x2100, v4;
	_ =	sdelay $0x1  }
0x11e: {  	v5 =	vshll.u32 v5, $0x8;
	v4 =	vadd.s32 v6, v4  }
0x11f: {  	v4 =	vadd.s32 v5, v4  }
0x120: {  	[tilespmem:s6+$0x0] =	vst v4  }
0x121: {  	v4 =	vld [tilespmem:s31+$0x0];
	_ =	sdelay $0x4  }
0x122: {  	(erf) = vrcp.f32 v4;
	_ =	sdelay $0x8  }
0x123: {  	v4 =	vpop (erf)  }
0x124: {  	[tilespmem:s31+$0x0] =	vst v4  }
0x125: {  	v4 =	vld [tilespmem:s6+$0x10]  }
0x126: {  	v5 =	vld [tilespmem:s21+$0x10];
	_ =	sdelay $0x3  }
0x127: {  	v61 =	vshra.s32 v4, $0x4;
	_ =	sdelay $0x3  }
0x128: {  	v5 =	vld.idx.msk [tilespmem:v5+s18+$0x0], $0xffff  }
0x129: {  	v6 =	vld.idx.msk [tilespmem:v61+s19+$0x0], $0xffff;
	_ =	sdelay $0x1  }
0x12a: {  	v4 =	vand.u32 $0xF, v4  }
0x12b: {  	v4 =	vmul.u32 $0x2100, v4;
	_ =	sdelay $0x1  }
0x12c: {  	v5 =	vshll.u32 v5, $0x8;
	v4 =	vadd.s32 v6, v4  }
0x12d: {  	v4 =	vadd.s32 v5, v4  }
0x12e: {  	[tilespmem:s6+$0x10] =	vst v4  }
0x12f: {  	v4 =	vld [tilespmem:s31+$0x10];
	_ =	sdelay $0x4  }
0x130: {  	(erf) = vrcp.f32 v4;
	_ =	sdelay $0x8  }
0x131: {  	v4 =	vpop (erf)  }
0x132: {  	[tilespmem:s31+$0x10] =	vst v4  }
0x133: {  	v4 =	vld [tilespmem:s6+$0x20]  }
0x134: {  	v5 =	vld [tilespmem:s21+$0x20];
	_ =	sdelay $0x3  }
0x135: {  	v62 =	vshra.s32 v4, $0x4;
	_ =	sdelay $0x3  }
0x136: {  	v5 =	vld.idx.msk [tilespmem:v5+s18+$0x0], $0xffff  }
0x137: {  	v6 =	vld.idx.msk [tilespmem:v62+s19+$0x0], $0xffff;
	_ =	sdelay $0x1  }
0x138: {  	v4 =	vand.u32 $0xF, v4  }
0x139: {  	v4 =	vmul.u32 $0x2100, v4;
	_ =	sdelay $0x1  }
0x13a: {  	v5 =	vshll.u32 v5, $0x8;
	v4 =	vadd.s32 v6, v4  }
0x13b: {  	v4 =	vadd.s32 v5, v4  }
0x13c: {  	[tilespmem:s6+$0x20] =	vst v4  }
0x13d: {  	v4 =	vld [tilespmem:s31+$0x20];
	_ =	sdelay $0x4  }
0x13e: {  	(erf) = vrcp.f32 v4;
	_ =	sdelay $0x8  }
0x13f: {  	v4 =	vpop (erf)  }
0x140: {  	[tilespmem:s31+$0x20] =	vst v4  }
0x141: {  	v4 =	vld [tilespmem:s6+$0x30]  }
0x142: {  	v5 =	vld [tilespmem:s21+$0x30];
	_ =	sdelay $0x3  }
0x143: {  	v63 =	vshra.s32 v4, $0x4;
	_ =	sdelay $0x3  }
0x144: {  	v5 =	vld.idx.msk [tilespmem:v5+s18+$0x0], $0xffff  }
0x145: {  	v6 =	vld.idx.msk [tilespmem:v63+s19+$0x0], $0xffff;
	_ =	sdelay $0x1  }
0x146: {  	v4 =	vand.u32 $0xF, v4  }
0x147: {  	v4 =	vmul.u32 $0x2100, v4;
	_ =	sdelay $0x1  }
0x148: {  	v5 =	vshll.u32 v5, $0x8;
	v4 =	vadd.s32 v6, v4  }
0x149: {  	v4 =	vadd.s32 v5, v4  }
0x14a: {  	[tilespmem:s6+$0x30] =	vst v4  }
0x14b: {  	v4 =	vld [tilespmem:s31+$0x30];
	_ =	sdelay $0x4  }
0x14c: {  	(erf) = vrcp.f32 v4;
	_ =	sdelay $0x3  }
0x14d: {  	s5 =	sadd.s32 $0x8, s5  }
0x14e: {  	p0 =	slt.u32 s5, $0x268  }
.Ltmp2:
0x14f: {  	_ = 	snop;
	(pc) =	sbr.rel @p0 .LBB2_6-.Ltmp2, $3  }
0x150: {  	_ =	sdelay $0x1  }
0x151: {  	v4 =	vpop (erf)  }
0x152: {  	s21 =	sadd.s32 $0x80, s21;
	s6 =	sadd.s32 $0x80, s6;
	[tilespmem:s31+$0x30] =	vst v4;
	s31 =	sadd.s32 $0x80, s31  }
0x153: {  	v4 =	vld [tilespmem:$0x2700]  }
0x154: {  	v5 =	vld [tilespmem:$0x7600];
	_ =	sdelay $0x3  }
0x155: {  	v6 =	vld [tilespmem:$0xC500];
	v7 =	vshra.s32 v4, $0x4;
	_ =	sdelay $0x3  }
0x156: {  	v5 =	vld.idx.msk [tilespmem:v5+s18+$0x0], $0xffff  }
0x157: {  	(erf) = vrcp.f32 v6;
	v63 =	vld.idx.msk [tilespmem:v7+s19+$0x0], $0xffff;
	_ =	sdelay $0x1  }
0x158: {  	v4 =	vand.u32 $0xF, v4  }
0x159: {  	v4 =	vmul.u32 $0x2100, v4;
	_ =	sdelay $0x1  }
0x15a: {  	v5 =	vshll.u32 v5, $0x8;
	v4 =	vadd.s32 v63, v4  }
0x15b: {  	v4 =	vadd.s32 v5, v4;
	_ =	sdelay $0x2  }
0x15c: {  	[tilespmem:$0x2700] =	vst v4;
	v4 =	vpop (erf)  }
0x15d: {  	s3 =	rddreg [dreg:$0x4];
	[tilespmem:$0xC500] =	vst v4  }
0x15e: {  	[spmem:s3] =	stream.indirect.scatter.add.f32 [tilespmem:s22], [sflag:$0x6], $0x1, s7, s25, $0xb8;
	[tilespmem:$0x161A0] =	vst v63  }
0x15f: {  	_ =	swait.ge [sflag:s23], $0x2710  }
0x160: {  	[sflag:s23] =	ssyncset.done $0x0  }
0x161: {  	[sflag:s23] =	ssyncadd.s32 $0xFFFFD8F0  }
0x162: {  	[bflag:$0x0] =	sbarrier.arrive $0xFFFF  }
0x163: {  	[tilespmem:s22], [sflag:$0x6] =	stream.linear.gather [spmem:s12], $0x2100, $0x38;
	[tilespmem:$0x161A0] =	vst v63  }
0x164: {  	_ =	swait.ge [sflag:s23], $0x2100  }
0x165: {  	[sflag:s23] =	ssyncset.done $0x0  }
0x166: {  	[sflag:s23] =	ssyncadd.s32 $0xFFFFDF00  }
0x167: {  	[hbm4b:s14+s7] =	stream.linear.scatter [tilespmem:s22], [sflag:$0x6], $0x2100, $0x38;
	[tilespmem:$0x161A0] =	vst v63  }
0x168: {  	_ =	swait.ge [sflag:s23], $0x2100  }
0x169: {  	[sflag:s23] =	ssyncset.done $0x0  }
0x16a: {  	[sflag:s23] =	ssyncadd.s32 $0xFFFFDF00  }
0x16b: {  	[tilespmem:s26], [sflag:$0x6] =	stream.linear.gather [spmem:s13], $0x210, $0x38;
	[tilespmem:$0x161A0] =	vst v63  }
0x16c: {  	s2 =	sadd.s32 $0x1, s2;
	_ =	swait.ge [sflag:s23], $0x210  }
0x16d: {  	p0 =	sne.s32 s2, s16;
	[sflag:s23] =	ssyncset.done $0x0  }
.Ltmp3:
0x16e: {  	[sflag:s23] =	ssyncadd.s32 $0xFFFFFDF0;
	(pc) =	sbr.rel @p0 .LBB2_1-.Ltmp3, $4  }
0x16f: {  	[hbm4b:s15+s7] =	stream.linear.scatter [tilespmem:s26], [sflag:$0x6], $0x210, $0x38;
	[tilespmem:$0x161A0] =	vst v63  }
0x170: {  	_ =	swait.ge [sflag:s23], $0x210  }
0x171: {  	[sflag:s23] =	ssyncset.done $0x0  }
0x172: {  	[sflag:s23] =	ssyncadd.s32 $0xFFFFFDF0  }
0x173: {  	_ =	sfence.sel $0x180000  }
0x174: {  	[bflag:$0x0] =	sbarrier.arrive $0xFFFF  }
0x175: {  	_ =	strace $0x90000047  }
0x176: {  	s0 =	stileid.u32;
	[bflag:$0x2] =	sbarrier.arrive $0xFFFF  }
0x177: {  	p0 =	sne.s32 s0, $0x0;
	s0 =	rddreg [dreg:$0x6]  }
0x178: {  	s0 =	sadd.s32 @!p0 $0x100000, s0  }
0x179: {  	[sflag:s0] =	ssyncadd.tile.s32 @!p0 $0x1;
	_ =	shalt  }
.Lfunc_end2:
_tile_overlayer_lowered:
.L_overlay_start_2:
0x17a: {  	(tag) =	ssettag $0x2  }
0x17b: {  	s0 =	rddreg [dreg:$0x0];
	s2 =	stileid.u32  }
0x17c: {  	s1 =	rddreg [dreg:$0x1];
	p0 =	sne.s32 s2, $0x0  }
0x17d: {  	s3 =	rddreg [dreg:$0x2];
	[bflag:$0x3] =	sbarrier.arrive $0xFFFF;
	s2 =	simm.s32 @!p0 $0x1C06  }
0x17e: {  	[timem:s3], [sflag:s2] =	dma.local @!p0 [hbm:s0], s1  }
0x17f: {  	s0 =	simm.s32 @!p0 $0x6  }
0x180: {  	_ =	swait.ge @!p0 [sflag:s0], s1  }
0x181: {  	s1 =	ssub.s32 @!p0 $0x0, s1;
	[sflag:s0] =	ssyncset.done @!p0 $0x0  }
0x182: {  	[sflag:s0] =	ssyncadd.s32 @!p0 s1  }
0x183: {  	[bflag:$0x3] =	sbarrier.arrive $0xFFFF  }
0x184: {  	_ =	shalt  }

</sc_bundles>
